<compile_context>
chip_gen: v7x
topology: tpu7x:2x2x1
jax: 0.10.2.dev20260603
libtpu: 0.0.44.dev20260713+nightly
codegen_flags: <defaults>
</compile_context>

<pallas_src>
import functools

import jax
import jax.numpy as jnp
from jax import lax
from jax.experimental import pallas as pl
from jax.experimental.pallas import tpu as pltpu
from jax.experimental.pallas import tpu_sc as plsc

BIN_SIZE = 100
EMBED_DIM = 128
NUM_CORES = 2
NUM_SUBCORES = 16
NUM_WORKERS = NUM_CORES * NUM_SUBCORES
LANES = 16

CHUNK = 16


def _make_sc_kernel(n_total: int):
  per_w = n_total // NUM_WORKERS
  n_chunks = per_w // CHUNK
  vregs_per_chunk = CHUNK // LANES

  mesh = plsc.VectorSubcoreMesh(
      core_axis_name="c", subcore_axis_name="s",
      num_cores=NUM_CORES, num_subcores=NUM_SUBCORES)

  @functools.partial(
      pl.kernel,
      out_type=jax.ShapeDtypeStruct((n_total, EMBED_DIM), jnp.float32),
      mesh=mesh,
      scratch_types=[
          pltpu.VMEM((per_w,), jnp.float32),
          pltpu.VMEM((n_chunks, CHUNK), jnp.int32),
          pltpu.VMEM((112,), jnp.float32),
          pltpu.VMEM((24, CHUNK, EMBED_DIM), jnp.float32),
          pltpu.VMEM_SHARED((BIN_SIZE, EMBED_DIM), jnp.float32),
          pltpu.SemaphoreType.DMA,
          pltpu.SemaphoreType.DMA,
      ],
      compiler_params=pltpu.CompilerParams(needs_layout_passes=False),
  )
  def sc_embed(rmsd_hbm, table_hbm, bins_hbm, out_hbm,
               x_v, idx_v, bins_v, rows_v, table_sp, gsem, ssem):
    sid = lax.axis_index("s")
    wid = sid * NUM_CORES + lax.axis_index("c")
    base = wid * per_w

    @pl.when(sid == 0)
    def _table_start():
      pltpu.async_copy(table_hbm, table_sp, gsem)

    pltpu.sync_copy(bins_hbm, bins_v)
    pltpu.sync_copy(rmsd_hbm.at[pl.ds(base, per_w)], x_v)

    def idx_chunk(j):
      for c in range(vregs_per_chunk):
        x = x_v[pl.ds(j * CHUNK + c * LANES, LANES)]
        g = jnp.clip((x * 196.0).astype(jnp.int32) + 1, 0, 99)
        lo = plsc.load_gather(bins_v, [g])
        hi = plsc.load_gather(bins_v, [g + 1])
        idx = g + jnp.where(x >= hi, 1, 0) - jnp.where(x < lo, 1, 0)
        idx_v[j, pl.ds(c * LANES, LANES)] = idx

    def gather_chunk(j, buf):
      return pltpu.async_copy(table_sp.at[idx_v.at[j]], rows_v.at[buf], gsem)

    def store_chunk(j, buf):
      return pltpu.async_copy(
          rows_v.at[buf], out_hbm.at[pl.ds(base + j * CHUNK, CHUNK)], ssem)

    def wait_gather():
      pltpu.make_async_copy(
          table_sp.at[idx_v.at[0]], rows_v.at[0], gsem).wait()

    def drain_store():
      pltpu.make_async_copy(
          rows_v.at[0], out_hbm.at[pl.ds(base, CHUNK)], ssem).wait()

    for _j in range(12):
      idx_chunk(_j)
    @pl.when(sid == 0)
    def _table_done():
      pltpu.make_async_copy(table_hbm, table_sp, gsem).wait()
    plsc.subcore_barrier()
    for _j in range(12):
      gather_chunk(_j, _j)

    def pipe_body(j, carry):
      wait_gather()
      store_chunk(j, lax.rem(j, 24))
      @pl.when(j + 12 < n_chunks)
      def _next():
        idx_chunk(j + 12)
        @pl.when(j >= 12)
        def _drain():
          drain_store()
        gather_chunk(j + 12, lax.rem(j + 12, 24))
      return carry
    lax.fori_loop(0, n_chunks, pipe_body, 0)
    for _ in range(24):
      drain_store()

  return sc_embed


def kernel(rmsd, table):
  n_total = rmsd.shape[0] * rmsd.shape[1]
  bins = jnp.linspace(0.0, 0.5, BIN_SIZE - 1, dtype=jnp.float32)
  bins_ext = jnp.concatenate([
      jnp.array([-jnp.inf], dtype=jnp.float32),
      bins,
      jnp.full((112 - BIN_SIZE,), jnp.inf, dtype=jnp.float32),
  ])
  out = _make_sc_kernel(n_total)(rmsd.reshape(n_total), table, bins_ext)
  return out.reshape(rmsd.shape[0], rmsd.shape[1], EMBED_DIM)

# --- scband reference (transcript-rebuilt; emitter-appended) ---
"""Pipeline reference for scband-binned-rmsdembedding-atom-dict-90546500534290 (READ-ONLY COPY).

The authoritative reference and input builder live on the scoring server;
editing this copy changes nothing except your own understanding.
"""

import jax, jax.numpy as jnp
import numpy as np

BIN_SIZE = 100
BIN_LO, BIN_HI = 0.0, 0.5
EMBED_DIM = 128

def setup_inputs(seed: int = 0) -> dict:
    key = jax.random.key(seed)
    k1, k2 = jax.random.split(key)
    rmsd = jax.random.uniform(k1, (32, 8192), dtype=jnp.float32)  # x['rmsd']
    table = jax.random.normal(k2, (BIN_SIZE, EMBED_DIM), dtype=jnp.float32)  # nn.Embedding weight
    return {"rmsd": rmsd, "table": table}

def reference(rmsd, table):
    # self.rmsd_bins = torch.linspace(0, 0.5, bin_size - 1)
    bins = jnp.linspace(BIN_LO, BIN_HI, BIN_SIZE - 1)
    # torch.bucketize(x, bins, right=True) == np.searchsorted(bins, x, side='right')
    idx = jnp.searchsorted(bins, rmsd, side='right')
    # nn.Embedding lookup -> gather rows of the table
    out = jnp.take(table, idx, axis=0)
    return out

if __name__ == "__main__":
    import jax
    _d = setup_inputs()
    print(jax.jit(kernel)(*tuple(_d.values())))

</pallas_src>

<mosaic_0001>
#map = affine_map<(d0, d1) -> (0)>
#map1 = affine_map<(d0, d1) -> (0, 0)>
module attributes {stable_mosaic.version = 14 : i64} {
  func.func @sc_embed(%arg0: i32, %arg1: i32, %arg2: memref<262144xf32, #tpu.memory_space<hbm>>, %arg3: memref<100x128xf32, #tpu.memory_space<hbm>>, %arg4: memref<112xf32, #tpu.memory_space<hbm>>, %arg5: memref<262144x128xf32, #tpu.memory_space<hbm>>, %arg6: memref<8192xf32, #tpu.memory_space<vmem>>, %arg7: memref<512x16xi32, #tpu.memory_space<vmem>>, %arg8: memref<112xf32, #tpu.memory_space<vmem>>, %arg9: memref<24x16x128xf32, #tpu.memory_space<vmem>>, %arg10: memref<100x128xf32, #tpu.memory_space<vmem_shared>>, %arg11: memref<!tpu.dma_semaphore, #tpu.memory_space<semaphore_mem>>, %arg12: memref<!tpu.dma_semaphore, #tpu.memory_space<semaphore_mem>>) attributes {dimension_semantics = [#tpu.dimension_semantics<core_parallel>, #tpu.dimension_semantics<subcore_parallel>], iteration_bounds = array<i64: 2, 16>, scalar_prefetch = 0 : i64, scratch_operands = 7 : i64, tpu.core_type = #tpu.core_type<sc_vector_subcore>, window_params = [{transform_indices = #map}, {transform_indices = #map1}, {transform_indices = #map}, {transform_indices = #map1}]} {
    %mul3A = arith.constant 2 : i32
    %mul3A_0 = arith.muli %arg1, %mul3A : i32
    %add3A = arith.addi %mul3A_0, %arg0 : i32
    %mul3A_1 = arith.constant 8192 : i32
    %mul3A_2 = arith.muli %add3A, %mul3A_1 : i32
    %eq3A = arith.constant 0 : i32
    %eq3A_3 = arith.cmpi eq, %arg1, %eq3A : i32
    %convert_element_type3A = arith.extui %eq3A_3 : i1 to i32
    %cond3A = arith.constant 0 : i32
    %cond3A_4 = arith.cmpi ne, %convert_element_type3A, %cond3A : i32
    scf.if %cond3A_4 {
      tpu.enqueue_dma source(%arg3 : memref<100x128xf32, #tpu.memory_space<hbm>>) target(%arg10 : memref<100x128xf32, #tpu.memory_space<vmem_shared>>) target_semaphore(%arg11 : memref<!tpu.dma_semaphore, #tpu.memory_space<semaphore_mem>>)
    } else {
    }
    "tpu.region"() ({
      %run_scoped3A = tpu.sem_alloc : memref<!tpu.dma_semaphore, #tpu.memory_space<semaphore_mem>>
      tpu.enqueue_dma source(%arg4 : memref<112xf32, #tpu.memory_space<hbm>>) target(%arg8 : memref<112xf32, #tpu.memory_space<vmem>>) target_semaphore(%run_scoped3A : memref<!tpu.dma_semaphore, #tpu.memory_space<semaphore_mem>>)
      tpu.wait_dma2 semaphore(%run_scoped3A : memref<!tpu.dma_semaphore, #tpu.memory_space<semaphore_mem>>) src(%arg4 : memref<112xf32, #tpu.memory_space<hbm>>) dst(%arg8 : memref<112xf32, #tpu.memory_space<vmem>>)
      tpu.yield
    }) : () -> ()
    "tpu.region"() ({
      %run_scoped3A = tpu.sem_alloc : memref<!tpu.dma_semaphore, #tpu.memory_space<semaphore_mem>>
      %dma_start3A_914 = tpu.memref_slice %arg2[%mul3A_2] : memref<262144xf32, #tpu.memory_space<hbm>> -> memref<8192xf32, #tpu.memory_space<hbm>>
      %dma_start3A_915 = tpu.memref_slice %arg2[%mul3A_2] : memref<262144xf32, #tpu.memory_space<hbm>> -> memref<8192xf32, #tpu.memory_space<hbm>>
      tpu.enqueue_dma source(%dma_start3A_915 : memref<8192xf32, #tpu.memory_space<hbm>>) target(%arg6 : memref<8192xf32, #tpu.memory_space<vmem>>) target_semaphore(%run_scoped3A : memref<!tpu.dma_semaphore, #tpu.memory_space<semaphore_mem>>)
      %dma_wait3A_916 = tpu.memref_slice %arg2[%mul3A_2] : memref<262144xf32, #tpu.memory_space<hbm>> -> memref<8192xf32, #tpu.memory_space<hbm>>
      %dma_wait3A_917 = tpu.memref_slice %arg2[%mul3A_2] : memref<262144xf32, #tpu.memory_space<hbm>> -> memref<8192xf32, #tpu.memory_space<hbm>>
      tpu.wait_dma2 semaphore(%run_scoped3A : memref<!tpu.dma_semaphore, #tpu.memory_space<semaphore_mem>>) src(%dma_wait3A_917 : memref<8192xf32, #tpu.memory_space<hbm>>) dst(%arg6 : memref<8192xf32, #tpu.memory_space<vmem>>)
      tpu.yield
    }) : () -> ()
    %get3A = arith.constant 0 : index
    %get3A_5 = tpu.vector_load %arg6[%get3A] {strides = array<i32>} : memref<8192xf32, #tpu.memory_space<vmem>>, vector<16xf32>,
    %mul3A_6 = arith.constant 1.960000e+02 : f32
    %mul3A_7 = vector.broadcast %mul3A_6 : f32 to vector<16xf32>
    %mul3A_8 = arith.mulf %get3A_5, %mul3A_7 : vector<16xf32>
    %convert_element_type3A_9 = arith.fptosi %mul3A_8 : vector<16xf32> to vector<16xi32>
    %add3A_10 = arith.constant 1 : i32
    %add3A_11 = vector.broadcast %add3A_10 : i32 to vector<16xi32>
    %add3A_12 = arith.addi %convert_element_type3A_9, %add3A_11 : vector<16xi32>
    %jit3A = arith.constant 0 : i32
    %jit3A_13 = arith.constant 99 : i32
    %max3A = vector.broadcast %jit3A : i32 to vector<16xi32>
    %max3A_14 = arith.maxsi %max3A, %add3A_12 : vector<16xi32>
    %min3A = vector.broadcast %jit3A_13 : i32 to vector<16xi32>
    %min3A_15 = arith.minsi %min3A, %max3A_14 : vector<16xi32>
    %gather3A = tpu.vector_load_idx %arg8[%min3A_15] : memref<112xf32, #tpu.memory_space<vmem>>[vector<16xi32>], vector<16xf32>,
    %add3A_16 = arith.constant 1 : i32
    %add3A_17 = vector.broadcast %add3A_16 : i32 to vector<16xi32>
    %add3A_18 = arith.addi %min3A_15, %add3A_17 : vector<16xi32>
    %gather3A_19 = tpu.vector_load_idx %arg8[%add3A_18] : memref<112xf32, #tpu.memory_space<vmem>>[vector<16xi32>], vector<16xf32>,
    %ge3A = arith.cmpf oge, %get3A_5, %gather3A_19 : vector<16xf32>
    %jit3A_20 = arith.constant 1 : i32
    %jit3A_21 = arith.constant 0 : i32
    %broadcast_in_dim3A = vector.broadcast %jit3A_20 : i32 to vector<16xi32>
    %broadcast_in_dim3A_22 = vector.broadcast %jit3A_21 : i32 to vector<16xi32>
    %select_n3A = arith.select %ge3A, %broadcast_in_dim3A, %broadcast_in_dim3A_22 : vector<16xi1>, vector<16xi32>
    %add3A_23 = arith.addi %min3A_15, %select_n3A : vector<16xi32>
    %lt3A = arith.cmpf olt, %get3A_5, %gather3A : vector<16xf32>
    %jit3A_24 = arith.constant 1 : i32
    %jit3A_25 = arith.constant 0 : i32
    %broadcast_in_dim3A_26 = vector.broadcast %jit3A_24 : i32 to vector<16xi32>
    %broadcast_in_dim3A_27 = vector.broadcast %jit3A_25 : i32 to vector<16xi32>
    %select_n3A_28 = arith.select %lt3A, %broadcast_in_dim3A_26, %broadcast_in_dim3A_27 : vector<16xi1>, vector<16xi32>
    %sub3A = arith.subi %add3A_23, %select_n3A_28 : vector<16xi32>
    %swap3A = arith.constant 0 : i32
    %swap3A_29 = arith.index_cast %swap3A : i32 to index
    %swap3A_30 = arith.constant 0 : index
    %swap3A_31 = tpu.vector_load %arg7[%swap3A_29, %swap3A_30] {strides = array<i32>} : memref<512x16xi32, #tpu.memory_space<vmem>>, vector<16xi32>,
    tpu.vector_store %arg7[%swap3A_29, %swap3A_30], %sub3A {strides = array<i32>} : memref<512x16xi32, #tpu.memory_space<vmem>>, vector<16xi32>,
    %get3A_32 = arith.constant 16 : index
    %get3A_33 = tpu.vector_load %arg6[%get3A_32] {strides = array<i32>} : memref<8192xf32, #tpu.memory_space<vmem>>, vector<16xf32>,
    %mul3A_34 = arith.constant 1.960000e+02 : f32
    %mul3A_35 = vector.broadcast %mul3A_34 : f32 to vector<16xf32>
    %mul3A_36 = arith.mulf %get3A_33, %mul3A_35 : vector<16xf32>
    %convert_element_type3A_37 = arith.fptosi %mul3A_36 : vector<16xf32> to vector<16xi32>
    %add3A_38 = arith.constant 1 : i32
    %add3A_39 = vector.broadcast %add3A_38 : i32 to vector<16xi32>
    %add3A_40 = arith.addi %convert_element_type3A_37, %add3A_39 : vector<16xi32>
    %jit3A_41 = arith.constant 0 : i32
    %jit3A_42 = arith.constant 99 : i32
    %max3A_43 = vector.broadcast %jit3A_41 : i32 to vector<16xi32>
    %max3A_44 = arith.maxsi %max3A_43, %add3A_40 : vector<16xi32>
    %min3A_45 = vector.broadcast %jit3A_42 : i32 to vector<16xi32>
    %min3A_46 = arith.minsi %min3A_45, %max3A_44 : vector<16xi32>
    %gather3A_47 = tpu.vector_load_idx %arg8[%min3A_46] : memref<112xf32, #tpu.memory_space<vmem>>[vector<16xi32>], vector<16xf32>,
    %add3A_48 = arith.constant 1 : i32
    %add3A_49 = vector.broadcast %add3A_48 : i32 to vector<16xi32>
    %add3A_50 = arith.addi %min3A_46, %add3A_49 : vector<16xi32>
    %gather3A_51 = tpu.vector_load_idx %arg8[%add3A_50] : memref<112xf32, #tpu.memory_space<vmem>>[vector<16xi32>], vector<16xf32>,
    %ge3A_52 = arith.cmpf oge, %get3A_33, %gather3A_51 : vector<16xf32>
    %jit3A_53 = arith.constant 1 : i32
    %jit3A_54 = arith.constant 0 : i32
    %broadcast_in_dim3A_55 = vector.broadcast %jit3A_53 : i32 to vector<16xi32>
    %broadcast_in_dim3A_56 = vector.broadcast %jit3A_54 : i32 to vector<16xi32>
    %select_n3A_57 = arith.select %ge3A_52, %broadcast_in_dim3A_55, %broadcast_in_dim3A_56 : vector<16xi1>, vector<16xi32>
    %add3A_58 = arith.addi %min3A_46, %select_n3A_57 : vector<16xi32>
    %lt3A_59 = arith.cmpf olt, %get3A_33, %gather3A_47 : vector<16xf32>
    %jit3A_60 = arith.constant 1 : i32
    %jit3A_61 = arith.constant 0 : i32
    %broadcast_in_dim3A_62 = vector.broadcast %jit3A_60 : i32 to vector<16xi32>
    %broadcast_in_dim3A_63 = vector.broadcast %jit3A_61 : i32 to vector<16xi32>
    %select_n3A_64 = arith.select %lt3A_59, %broadcast_in_dim3A_62, %broadcast_in_dim3A_63 : vector<16xi1>, vector<16xi32>
    %sub3A_65 = arith.subi %add3A_58, %select_n3A_64 : vector<16xi32>
    %swap3A_66 = arith.constant 1 : i32
    %swap3A_67 = arith.index_cast %swap3A_66 : i32 to index
    %swap3A_68 = arith.constant 0 : index
    %swap3A_69 = tpu.vector_load %arg7[%swap3A_67, %swap3A_68] {strides = array<i32>} : memref<512x16xi32, #tpu.memory_space<vmem>>, vector<16xi32>,
    tpu.vector_store %arg7[%swap3A_67, %swap3A_68], %sub3A_65 {strides = array<i32>} : memref<512x16xi32, #tpu.memory_space<vmem>>, vector<16xi32>,
    %get3A_70 = arith.constant 32 : index
    %get3A_71 = tpu.vector_load %arg6[%get3A_70] {strides = array<i32>} : memref<8192xf32, #tpu.memory_space<vmem>>, vector<16xf32>,
    %mul3A_72 = arith.constant 1.960000e+02 : f32
    %mul3A_73 = vector.broadcast %mul3A_72 : f32 to vector<16xf32>
    %mul3A_74 = arith.mulf %get3A_71, %mul3A_73 : vector<16xf32>
    %convert_element_type3A_75 = arith.fptosi %mul3A_74 : vector<16xf32> to vector<16xi32>
    %add3A_76 = arith.constant 1 : i32
    %add3A_77 = vector.broadcast %add3A_76 : i32 to vector<16xi32>
    %add3A_78 = arith.addi %convert_element_type3A_75, %add3A_77 : vector<16xi32>
    %jit3A_79 = arith.constant 0 : i32
    %jit3A_80 = arith.constant 99 : i32
    %max3A_81 = vector.broadcast %jit3A_79 : i32 to vector<16xi32>
    %max3A_82 = arith.maxsi %max3A_81, %add3A_78 : vector<16xi32>
    %min3A_83 = vector.broadcast %jit3A_80 : i32 to vector<16xi32>
    %min3A_84 = arith.minsi %min3A_83, %max3A_82 : vector<16xi32>
    %gather3A_85 = tpu.vector_load_idx %arg8[%min3A_84] : memref<112xf32, #tpu.memory_space<vmem>>[vector<16xi32>], vector<16xf32>,
    %add3A_86 = arith.constant 1 : i32
    %add3A_87 = vector.broadcast %add3A_86 : i32 to vector<16xi32>
    %add3A_88 = arith.addi %min3A_84, %add3A_87 : vector<16xi32>
    %gather3A_89 = tpu.vector_load_idx %arg8[%add3A_88] : memref<112xf32, #tpu.memory_space<vmem>>[vector<16xi32>], vector<16xf32>,
    %ge3A_90 = arith.cmpf oge, %get3A_71, %gather3A_89 : vector<16xf32>
    %jit3A_91 = arith.constant 1 : i32
    %jit3A_92 = arith.constant 0 : i32
    %broadcast_in_dim3A_93 = vector.broadcast %jit3A_91 : i32 to vector<16xi32>
    %broadcast_in_dim3A_94 = vector.broadcast %jit3A_92 : i32 to vector<16xi32>
    %select_n3A_95 = arith.select %ge3A_90, %broadcast_in_dim3A_93, %broadcast_in_dim3A_94 : vector<16xi1>, vector<16xi32>
    %add3A_96 = arith.addi %min3A_84, %select_n3A_95 : vector<16xi32>
    %lt3A_97 = arith.cmpf olt, %get3A_71, %gather3A_85 : vector<16xf32>
    %jit3A_98 = arith.constant 1 : i32
    %jit3A_99 = arith.constant 0 : i32
    %broadcast_in_dim3A_100 = vector.broadcast %jit3A_98 : i32 to vector<16xi32>
    %broadcast_in_dim3A_101 = vector.broadcast %jit3A_99 : i32 to vector<16xi32>
    %select_n3A_102 = arith.select %lt3A_97, %broadcast_in_dim3A_100, %broadcast_in_dim3A_101 : vector<16xi1>, vector<16xi32>
    %sub3A_103 = arith.subi %add3A_96, %select_n3A_102 : vector<16xi32>
    %swap3A_104 = arith.constant 2 : i32
    %swap3A_105 = arith.index_cast %swap3A_104 : i32 to index
    %swap3A_106 = arith.constant 0 : index
    %swap3A_107 = tpu.vector_load %arg7[%swap3A_105, %swap3A_106] {strides = array<i32>} : memref<512x16xi32, #tpu.memory_space<vmem>>, vector<16xi32>,
    tpu.vector_store %arg7[%swap3A_105, %swap3A_106], %sub3A_103 {strides = array<i32>} : memref<512x16xi32, #tpu.memory_space<vmem>>, vector<16xi32>,
    %get3A_108 = arith.constant 48 : index
    %get3A_109 = tpu.vector_load %arg6[%get3A_108] {strides = array<i32>} : memref<8192xf32, #tpu.memory_space<vmem>>, vector<16xf32>,
    %mul3A_110 = arith.constant 1.960000e+02 : f32
    %mul3A_111 = vector.broadcast %mul3A_110 : f32 to vector<16xf32>
    %mul3A_112 = arith.mulf %get3A_109, %mul3A_111 : vector<16xf32>
    %convert_element_type3A_113 = arith.fptosi %mul3A_112 : vector<16xf32> to vector<16xi32>
    %add3A_114 = arith.constant 1 : i32
    %add3A_115 = vector.broadcast %add3A_114 : i32 to vector<16xi32>
    %add3A_116 = arith.addi %convert_element_type3A_113, %add3A_115 : vector<16xi32>
    %jit3A_117 = arith.constant 0 : i32
    %jit3A_118 = arith.constant 99 : i32
    %max3A_119 = vector.broadcast %jit3A_117 : i32 to vector<16xi32>
    %max3A_120 = arith.maxsi %max3A_119, %add3A_116 : vector<16xi32>
    %min3A_121 = vector.broadcast %jit3A_118 : i32 to vector<16xi32>
    %min3A_122 = arith.minsi %min3A_121, %max3A_120 : vector<16xi32>
    %gather3A_123 = tpu.vector_load_idx %arg8[%min3A_122] : memref<112xf32, #tpu.memory_space<vmem>>[vector<16xi32>], vector<16xf32>,
    %add3A_124 = arith.constant 1 : i32
    %add3A_125 = vector.broadcast %add3A_124 : i32 to vector<16xi32>
    %add3A_126 = arith.addi %min3A_122, %add3A_125 : vector<16xi32>
    %gather3A_127 = tpu.vector_load_idx %arg8[%add3A_126] : memref<112xf32, #tpu.memory_space<vmem>>[vector<16xi32>], vector<16xf32>,
    %ge3A_128 = arith.cmpf oge, %get3A_109, %gather3A_127 : vector<16xf32>
    %jit3A_129 = arith.constant 1 : i32
    %jit3A_130 = arith.constant 0 : i32
    %broadcast_in_dim3A_131 = vector.broadcast %jit3A_129 : i32 to vector<16xi32>
    %broadcast_in_dim3A_132 = vector.broadcast %jit3A_130 : i32 to vector<16xi32>
    %select_n3A_133 = arith.select %ge3A_128, %broadcast_in_dim3A_131, %broadcast_in_dim3A_132 : vector<16xi1>, vector<16xi32>
    %add3A_134 = arith.addi %min3A_122, %select_n3A_133 : vector<16xi32>
    %lt3A_135 = arith.cmpf olt, %get3A_109, %gather3A_123 : vector<16xf32>
    %jit3A_136 = arith.constant 1 : i32
    %jit3A_137 = arith.constant 0 : i32
    %broadcast_in_dim3A_138 = vector.broadcast %jit3A_136 : i32 to vector<16xi32>
    %broadcast_in_dim3A_139 = vector.broadcast %jit3A_137 : i32 to vector<16xi32>
    %select_n3A_140 = arith.select %lt3A_135, %broadcast_in_dim3A_138, %broadcast_in_dim3A_139 : vector<16xi1>, vector<16xi32>
    %sub3A_141 = arith.subi %add3A_134, %select_n3A_140 : vector<16xi32>
    %swap3A_142 = arith.constant 3 : i32
    %swap3A_143 = arith.index_cast %swap3A_142 : i32 to index
    %swap3A_144 = arith.constant 0 : index
    %swap3A_145 = tpu.vector_load %arg7[%swap3A_143, %swap3A_144] {strides = array<i32>} : memref<512x16xi32, #tpu.memory_space<vmem>>, vector<16xi32>,
    tpu.vector_store %arg7[%swap3A_143, %swap3A_144], %sub3A_141 {strides = array<i32>} : memref<512x16xi32, #tpu.memory_space<vmem>>, vector<16xi32>,
    %get3A_146 = arith.constant 64 : index
    %get3A_147 = tpu.vector_load %arg6[%get3A_146] {strides = array<i32>} : memref<8192xf32, #tpu.memory_space<vmem>>, vector<16xf32>,
    %mul3A_148 = arith.constant 1.960000e+02 : f32
    %mul3A_149 = vector.broadcast %mul3A_148 : f32 to vector<16xf32>
    %mul3A_150 = arith.mulf %get3A_147, %mul3A_149 : vector<16xf32>
    %convert_element_type3A_151 = arith.fptosi %mul3A_150 : vector<16xf32> to vector<16xi32>
    %add3A_152 = arith.constant 1 : i32
    %add3A_153 = vector.broadcast %add3A_152 : i32 to vector<16xi32>
    %add3A_154 = arith.addi %convert_element_type3A_151, %add3A_153 : vector<16xi32>
    %jit3A_155 = arith.constant 0 : i32
    %jit3A_156 = arith.constant 99 : i32
    %max3A_157 = vector.broadcast %jit3A_155 : i32 to vector<16xi32>
    %max3A_158 = arith.maxsi %max3A_157, %add3A_154 : vector<16xi32>
    %min3A_159 = vector.broadcast %jit3A_156 : i32 to vector<16xi32>
    %min3A_160 = arith.minsi %min3A_159, %max3A_158 : vector<16xi32>
    %gather3A_161 = tpu.vector_load_idx %arg8[%min3A_160] : memref<112xf32, #tpu.memory_space<vmem>>[vector<16xi32>], vector<16xf32>,
    %add3A_162 = arith.constant 1 : i32
    %add3A_163 = vector.broadcast %add3A_162 : i32 to vector<16xi32>
    %add3A_164 = arith.addi %min3A_160, %add3A_163 : vector<16xi32>
    %gather3A_165 = tpu.vector_load_idx %arg8[%add3A_164] : memref<112xf32, #tpu.memory_space<vmem>>[vector<16xi32>], vector<16xf32>,
    %ge3A_166 = arith.cmpf oge, %get3A_147, %gather3A_165 : vector<16xf32>
    %jit3A_167 = arith.constant 1 : i32
    %jit3A_168 = arith.constant 0 : i32
    %broadcast_in_dim3A_169 = vector.broadcast %jit3A_167 : i32 to vector<16xi32>
    %broadcast_in_dim3A_170 = vector.broadcast %jit3A_168 : i32 to vector<16xi32>
    %select_n3A_171 = arith.select %ge3A_166, %broadcast_in_dim3A_169, %broadcast_in_dim3A_170 : vector<16xi1>, vector<16xi32>
    %add3A_172 = arith.addi %min3A_160, %select_n3A_171 : vector<16xi32>
    %lt3A_173 = arith.cmpf olt, %get3A_147, %gather3A_161 : vector<16xf32>
    %jit3A_174 = arith.constant 1 : i32
    %jit3A_175 = arith.constant 0 : i32
    %broadcast_in_dim3A_176 = vector.broadcast %jit3A_174 : i32 to vector<16xi32>
    %broadcast_in_dim3A_177 = vector.broadcast %jit3A_175 : i32 to vector<16xi32>
    %select_n3A_178 = arith.select %lt3A_173, %broadcast_in_dim3A_176, %broadcast_in_dim3A_177 : vector<16xi1>, vector<16xi32>
    %sub3A_179 = arith.subi %add3A_172, %select_n3A_178 : vector<16xi32>
    %swap3A_180 = arith.constant 4 : i32
    %swap3A_181 = arith.index_cast %swap3A_180 : i32 to index
    %swap3A_182 = arith.constant 0 : index
    %swap3A_183 = tpu.vector_load %arg7[%swap3A_181, %swap3A_182] {strides = array<i32>} : memref<512x16xi32, #tpu.memory_space<vmem>>, vector<16xi32>,
    tpu.vector_store %arg7[%swap3A_181, %swap3A_182], %sub3A_179 {strides = array<i32>} : memref<512x16xi32, #tpu.memory_space<vmem>>, vector<16xi32>,
    %get3A_184 = arith.constant 80 : index
    %get3A_185 = tpu.vector_load %arg6[%get3A_184] {strides = array<i32>} : memref<8192xf32, #tpu.memory_space<vmem>>, vector<16xf32>,
    %mul3A_186 = arith.constant 1.960000e+02 : f32
    %mul3A_187 = vector.broadcast %mul3A_186 : f32 to vector<16xf32>
    %mul3A_188 = arith.mulf %get3A_185, %mul3A_187 : vector<16xf32>
    %convert_element_type3A_189 = arith.fptosi %mul3A_188 : vector<16xf32> to vector<16xi32>
    %add3A_190 = arith.constant 1 : i32
    %add3A_191 = vector.broadcast %add3A_190 : i32 to vector<16xi32>
    %add3A_192 = arith.addi %convert_element_type3A_189, %add3A_191 : vector<16xi32>
    %jit3A_193 = arith.constant 0 : i32
    %jit3A_194 = arith.constant 99 : i32
    %max3A_195 = vector.broadcast %jit3A_193 : i32 to vector<16xi32>
    %max3A_196 = arith.maxsi %max3A_195, %add3A_192 : vector<16xi32>
    %min3A_197 = vector.broadcast %jit3A_194 : i32 to vector<16xi32>
    %min3A_198 = arith.minsi %min3A_197, %max3A_196 : vector<16xi32>
    %gather3A_199 = tpu.vector_load_idx %arg8[%min3A_198] : memref<112xf32, #tpu.memory_space<vmem>>[vector<16xi32>], vector<16xf32>,
    %add3A_200 = arith.constant 1 : i32
    %add3A_201 = vector.broadcast %add3A_200 : i32 to vector<16xi32>
    %add3A_202 = arith.addi %min3A_198, %add3A_201 : vector<16xi32>
    %gather3A_203 = tpu.vector_load_idx %arg8[%add3A_202] : memref<112xf32, #tpu.memory_space<vmem>>[vector<16xi32>], vector<16xf32>,
    %ge3A_204 = arith.cmpf oge, %get3A_185, %gather3A_203 : vector<16xf32>
    %jit3A_205 = arith.constant 1 : i32
    %jit3A_206 = arith.constant 0 : i32
    %broadcast_in_dim3A_207 = vector.broadcast %jit3A_205 : i32 to vector<16xi32>
    %broadcast_in_dim3A_208 = vector.broadcast %jit3A_206 : i32 to vector<16xi32>
    %select_n3A_209 = arith.select %ge3A_204, %broadcast_in_dim3A_207, %broadcast_in_dim3A_208 : vector<16xi1>, vector<16xi32>
    %add3A_210 = arith.addi %min3A_198, %select_n3A_209 : vector<16xi32>
    %lt3A_211 = arith.cmpf olt, %get3A_185, %gather3A_199 : vector<16xf32>
    %jit3A_212 = arith.constant 1 : i32
    %jit3A_213 = arith.constant 0 : i32
    %broadcast_in_dim3A_214 = vector.broadcast %jit3A_212 : i32 to vector<16xi32>
    %broadcast_in_dim3A_215 = vector.broadcast %jit3A_213 : i32 to vector<16xi32>
    %select_n3A_216 = arith.select %lt3A_211, %broadcast_in_dim3A_214, %broadcast_in_dim3A_215 : vector<16xi1>, vector<16xi32>
    %sub3A_217 = arith.subi %add3A_210, %select_n3A_216 : vector<16xi32>
    %swap3A_218 = arith.constant 5 : i32
    %swap3A_219 = arith.index_cast %swap3A_218 : i32 to index
    %swap3A_220 = arith.constant 0 : index
    %swap3A_221 = tpu.vector_load %arg7[%swap3A_219, %swap3A_220] {strides = array<i32>} : memref<512x16xi32, #tpu.memory_space<vmem>>, vector<16xi32>,
    tpu.vector_store %arg7[%swap3A_219, %swap3A_220], %sub3A_217 {strides = array<i32>} : memref<512x16xi32, #tpu.memory_space<vmem>>, vector<16xi32>,
    %get3A_222 = arith.constant 96 : index
    %get3A_223 = tpu.vector_load %arg6[%get3A_222] {strides = array<i32>} : memref<8192xf32, #tpu.memory_space<vmem>>, vector<16xf32>,
    %mul3A_224 = arith.constant 1.960000e+02 : f32
    %mul3A_225 = vector.broadcast %mul3A_224 : f32 to vector<16xf32>
    %mul3A_226 = arith.mulf %get3A_223, %mul3A_225 : vector<16xf32>
    %convert_element_type3A_227 = arith.fptosi %mul3A_226 : vector<16xf32> to vector<16xi32>
    %add3A_228 = arith.constant 1 : i32
    %add3A_229 = vector.broadcast %add3A_228 : i32 to vector<16xi32>
    %add3A_230 = arith.addi %convert_element_type3A_227, %add3A_229 : vector<16xi32>
    %jit3A_231 = arith.constant 0 : i32
    %jit3A_232 = arith.constant 99 : i32
    %max3A_233 = vector.broadcast %jit3A_231 : i32 to vector<16xi32>
    %max3A_234 = arith.maxsi %max3A_233, %add3A_230 : vector<16xi32>
    %min3A_235 = vector.broadcast %jit3A_232 : i32 to vector<16xi32>
    %min3A_236 = arith.minsi %min3A_235, %max3A_234 : vector<16xi32>
    %gather3A_237 = tpu.vector_load_idx %arg8[%min3A_236] : memref<112xf32, #tpu.memory_space<vmem>>[vector<16xi32>], vector<16xf32>,
    %add3A_238 = arith.constant 1 : i32
    %add3A_239 = vector.broadcast %add3A_238 : i32 to vector<16xi32>
    %add3A_240 = arith.addi %min3A_236, %add3A_239 : vector<16xi32>
    %gather3A_241 = tpu.vector_load_idx %arg8[%add3A_240] : memref<112xf32, #tpu.memory_space<vmem>>[vector<16xi32>], vector<16xf32>,
    %ge3A_242 = arith.cmpf oge, %get3A_223, %gather3A_241 : vector<16xf32>
    %jit3A_243 = arith.constant 1 : i32
    %jit3A_244 = arith.constant 0 : i32
    %broadcast_in_dim3A_245 = vector.broadcast %jit3A_243 : i32 to vector<16xi32>
    %broadcast_in_dim3A_246 = vector.broadcast %jit3A_244 : i32 to vector<16xi32>
    %select_n3A_247 = arith.select %ge3A_242, %broadcast_in_dim3A_245, %broadcast_in_dim3A_246 : vector<16xi1>, vector<16xi32>
    %add3A_248 = arith.addi %min3A_236, %select_n3A_247 : vector<16xi32>
    %lt3A_249 = arith.cmpf olt, %get3A_223, %gather3A_237 : vector<16xf32>
    %jit3A_250 = arith.constant 1 : i32
    %jit3A_251 = arith.constant 0 : i32
    %broadcast_in_dim3A_252 = vector.broadcast %jit3A_250 : i32 to vector<16xi32>
    %broadcast_in_dim3A_253 = vector.broadcast %jit3A_251 : i32 to vector<16xi32>
    %select_n3A_254 = arith.select %lt3A_249, %broadcast_in_dim3A_252, %broadcast_in_dim3A_253 : vector<16xi1>, vector<16xi32>
    %sub3A_255 = arith.subi %add3A_248, %select_n3A_254 : vector<16xi32>
    %swap3A_256 = arith.constant 6 : i32
    %swap3A_257 = arith.index_cast %swap3A_256 : i32 to index
    %swap3A_258 = arith.constant 0 : index
    %swap3A_259 = tpu.vector_load %arg7[%swap3A_257, %swap3A_258] {strides = array<i32>} : memref<512x16xi32, #tpu.memory_space<vmem>>, vector<16xi32>,
    tpu.vector_store %arg7[%swap3A_257, %swap3A_258], %sub3A_255 {strides = array<i32>} : memref<512x16xi32, #tpu.memory_space<vmem>>, vector<16xi32>,
    %get3A_260 = arith.constant 112 : index
    %get3A_261 = tpu.vector_load %arg6[%get3A_260] {strides = array<i32>} : memref<8192xf32, #tpu.memory_space<vmem>>, vector<16xf32>,
    %mul3A_262 = arith.constant 1.960000e+02 : f32
    %mul3A_263 = vector.broadcast %mul3A_262 : f32 to vector<16xf32>
    %mul3A_264 = arith.mulf %get3A_261, %mul3A_263 : vector<16xf32>
    %convert_element_type3A_265 = arith.fptosi %mul3A_264 : vector<16xf32> to vector<16xi32>
    %add3A_266 = arith.constant 1 : i32
    %add3A_267 = vector.broadcast %add3A_266 : i32 to vector<16xi32>
    %add3A_268 = arith.addi %convert_element_type3A_265, %add3A_267 : vector<16xi32>
    %jit3A_269 = arith.constant 0 : i32
    %jit3A_270 = arith.constant 99 : i32
    %max3A_271 = vector.broadcast %jit3A_269 : i32 to vector<16xi32>
    %max3A_272 = arith.maxsi %max3A_271, %add3A_268 : vector<16xi32>
    %min3A_273 = vector.broadcast %jit3A_270 : i32 to vector<16xi32>
    %min3A_274 = arith.minsi %min3A_273, %max3A_272 : vector<16xi32>
    %gather3A_275 = tpu.vector_load_idx %arg8[%min3A_274] : memref<112xf32, #tpu.memory_space<vmem>>[vector<16xi32>], vector<16xf32>,
    %add3A_276 = arith.constant 1 : i32
    %add3A_277 = vector.broadcast %add3A_276 : i32 to vector<16xi32>
    %add3A_278 = arith.addi %min3A_274, %add3A_277 : vector<16xi32>
    %gather3A_279 = tpu.vector_load_idx %arg8[%add3A_278] : memref<112xf32, #tpu.memory_space<vmem>>[vector<16xi32>], vector<16xf32>,
    %ge3A_280 = arith.cmpf oge, %get3A_261, %gather3A_279 : vector<16xf32>
    %jit3A_281 = arith.constant 1 : i32
    %jit3A_282 = arith.constant 0 : i32
    %broadcast_in_dim3A_283 = vector.broadcast %jit3A_281 : i32 to vector<16xi32>
    %broadcast_in_dim3A_284 = vector.broadcast %jit3A_282 : i32 to vector<16xi32>
    %select_n3A_285 = arith.select %ge3A_280, %broadcast_in_dim3A_283, %broadcast_in_dim3A_284 : vector<16xi1>, vector<16xi32>
    %add3A_286 = arith.addi %min3A_274, %select_n3A_285 : vector<16xi32>
    %lt3A_287 = arith.cmpf olt, %get3A_261, %gather3A_275 : vector<16xf32>
    %jit3A_288 = arith.constant 1 : i32
    %jit3A_289 = arith.constant 0 : i32
    %broadcast_in_dim3A_290 = vector.broadcast %jit3A_288 : i32 to vector<16xi32>
    %broadcast_in_dim3A_291 = vector.broadcast %jit3A_289 : i32 to vector<16xi32>
    %select_n3A_292 = arith.select %lt3A_287, %broadcast_in_dim3A_290, %broadcast_in_dim3A_291 : vector<16xi1>, vector<16xi32>
    %sub3A_293 = arith.subi %add3A_286, %select_n3A_292 : vector<16xi32>
    %swap3A_294 = arith.constant 7 : i32
    %swap3A_295 = arith.index_cast %swap3A_294 : i32 to index
    %swap3A_296 = arith.constant 0 : index
    %swap3A_297 = tpu.vector_load %arg7[%swap3A_295, %swap3A_296] {strides = array<i32>} : memref<512x16xi32, #tpu.memory_space<vmem>>, vector<16xi32>,
    tpu.vector_store %arg7[%swap3A_295, %swap3A_296], %sub3A_293 {strides = array<i32>} : memref<512x16xi32, #tpu.memory_space<vmem>>, vector<16xi32>,
    %get3A_298 = arith.constant 128 : index
    %get3A_299 = tpu.vector_load %arg6[%get3A_298] {strides = array<i32>} : memref<8192xf32, #tpu.memory_space<vmem>>, vector<16xf32>,
    %mul3A_300 = arith.constant 1.960000e+02 : f32
    %mul3A_301 = vector.broadcast %mul3A_300 : f32 to vector<16xf32>
    %mul3A_302 = arith.mulf %get3A_299, %mul3A_301 : vector<16xf32>
    %convert_element_type3A_303 = arith.fptosi %mul3A_302 : vector<16xf32> to vector<16xi32>
    %add3A_304 = arith.constant 1 : i32
    %add3A_305 = vector.broadcast %add3A_304 : i32 to vector<16xi32>
    %add3A_306 = arith.addi %convert_element_type3A_303, %add3A_305 : vector<16xi32>
    %jit3A_307 = arith.constant 0 : i32
    %jit3A_308 = arith.constant 99 : i32
    %max3A_309 = vector.broadcast %jit3A_307 : i32 to vector<16xi32>
    %max3A_310 = arith.maxsi %max3A_309, %add3A_306 : vector<16xi32>
    %min3A_311 = vector.broadcast %jit3A_308 : i32 to vector<16xi32>
    %min3A_312 = arith.minsi %min3A_311, %max3A_310 : vector<16xi32>
    %gather3A_313 = tpu.vector_load_idx %arg8[%min3A_312] : memref<112xf32, #tpu.memory_space<vmem>>[vector<16xi32>], vector<16xf32>,
    %add3A_314 = arith.constant 1 : i32
    %add3A_315 = vector.broadcast %add3A_314 : i32 to vector<16xi32>
    %add3A_316 = arith.addi %min3A_312, %add3A_315 : vector<16xi32>
    %gather3A_317 = tpu.vector_load_idx %arg8[%add3A_316] : memref<112xf32, #tpu.memory_space<vmem>>[vector<16xi32>], vector<16xf32>,
    %ge3A_318 = arith.cmpf oge, %get3A_299, %gather3A_317 : vector<16xf32>
    %jit3A_319 = arith.constant 1 : i32
    %jit3A_320 = arith.constant 0 : i32
    %broadcast_in_dim3A_321 = vector.broadcast %jit3A_319 : i32 to vector<16xi32>
    %broadcast_in_dim3A_322 = vector.broadcast %jit3A_320 : i32 to vector<16xi32>
    %select_n3A_323 = arith.select %ge3A_318, %broadcast_in_dim3A_321, %broadcast_in_dim3A_322 : vector<16xi1>, vector<16xi32>
    %add3A_324 = arith.addi %min3A_312, %select_n3A_323 : vector<16xi32>
    %lt3A_325 = arith.cmpf olt, %get3A_299, %gather3A_313 : vector<16xf32>
    %jit3A_326 = arith.constant 1 : i32
    %jit3A_327 = arith.constant 0 : i32
    %broadcast_in_dim3A_328 = vector.broadcast %jit3A_326 : i32 to vector<16xi32>
    %broadcast_in_dim3A_329 = vector.broadcast %jit3A_327 : i32 to vector<16xi32>
    %select_n3A_330 = arith.select %lt3A_325, %broadcast_in_dim3A_328, %broadcast_in_dim3A_329 : vector<16xi1>, vector<16xi32>
    %sub3A_331 = arith.subi %add3A_324, %select_n3A_330 : vector<16xi32>
    %swap3A_332 = arith.constant 8 : i32
    %swap3A_333 = arith.index_cast %swap3A_332 : i32 to index
    %swap3A_334 = arith.constant 0 : index
    %swap3A_335 = tpu.vector_load %arg7[%swap3A_333, %swap3A_334] {strides = array<i32>} : memref<512x16xi32, #tpu.memory_space<vmem>>, vector<16xi32>,
    tpu.vector_store %arg7[%swap3A_333, %swap3A_334], %sub3A_331 {strides = array<i32>} : memref<512x16xi32, #tpu.memory_space<vmem>>, vector<16xi32>,
    %get3A_336 = arith.constant 144 : index
    %get3A_337 = tpu.vector_load %arg6[%get3A_336] {strides = array<i32>} : memref<8192xf32, #tpu.memory_space<vmem>>, vector<16xf32>,
    %mul3A_338 = arith.constant 1.960000e+02 : f32
    %mul3A_339 = vector.broadcast %mul3A_338 : f32 to vector<16xf32>
    %mul3A_340 = arith.mulf %get3A_337, %mul3A_339 : vector<16xf32>
    %convert_element_type3A_341 = arith.fptosi %mul3A_340 : vector<16xf32> to vector<16xi32>
    %add3A_342 = arith.constant 1 : i32
    %add3A_343 = vector.broadcast %add3A_342 : i32 to vector<16xi32>
    %add3A_344 = arith.addi %convert_element_type3A_341, %add3A_343 : vector<16xi32>
    %jit3A_345 = arith.constant 0 : i32
    %jit3A_346 = arith.constant 99 : i32
    %max3A_347 = vector.broadcast %jit3A_345 : i32 to vector<16xi32>
    %max3A_348 = arith.maxsi %max3A_347, %add3A_344 : vector<16xi32>
    %min3A_349 = vector.broadcast %jit3A_346 : i32 to vector<16xi32>
    %min3A_350 = arith.minsi %min3A_349, %max3A_348 : vector<16xi32>
    %gather3A_351 = tpu.vector_load_idx %arg8[%min3A_350] : memref<112xf32, #tpu.memory_space<vmem>>[vector<16xi32>], vector<16xf32>,
    %add3A_352 = arith.constant 1 : i32
    %add3A_353 = vector.broadcast %add3A_352 : i32 to vector<16xi32>
    %add3A_354 = arith.addi %min3A_350, %add3A_353 : vector<16xi32>
    %gather3A_355 = tpu.vector_load_idx %arg8[%add3A_354] : memref<112xf32, #tpu.memory_space<vmem>>[vector<16xi32>], vector<16xf32>,
    %ge3A_356 = arith.cmpf oge, %get3A_337, %gather3A_355 : vector<16xf32>
    %jit3A_357 = arith.constant 1 : i32
    %jit3A_358 = arith.constant 0 : i32
    %broadcast_in_dim3A_359 = vector.broadcast %jit3A_357 : i32 to vector<16xi32>
    %broadcast_in_dim3A_360 = vector.broadcast %jit3A_358 : i32 to vector<16xi32>
    %select_n3A_361 = arith.select %ge3A_356, %broadcast_in_dim3A_359, %broadcast_in_dim3A_360 : vector<16xi1>, vector<16xi32>
    %add3A_362 = arith.addi %min3A_350, %select_n3A_361 : vector<16xi32>
    %lt3A_363 = arith.cmpf olt, %get3A_337, %gather3A_351 : vector<16xf32>
    %jit3A_364 = arith.constant 1 : i32
    %jit3A_365 = arith.constant 0 : i32
    %broadcast_in_dim3A_366 = vector.broadcast %jit3A_364 : i32 to vector<16xi32>
    %broadcast_in_dim3A_367 = vector.broadcast %jit3A_365 : i32 to vector<16xi32>
    %select_n3A_368 = arith.select %lt3A_363, %broadcast_in_dim3A_366, %broadcast_in_dim3A_367 : vector<16xi1>, vector<16xi32>
    %sub3A_369 = arith.subi %add3A_362, %select_n3A_368 : vector<16xi32>
    %swap3A_370 = arith.constant 9 : i32
    %swap3A_371 = arith.index_cast %swap3A_370 : i32 to index
    %swap3A_372 = arith.constant 0 : index
    %swap3A_373 = tpu.vector_load %arg7[%swap3A_371, %swap3A_372] {strides = array<i32>} : memref<512x16xi32, #tpu.memory_space<vmem>>, vector<16xi32>,
    tpu.vector_store %arg7[%swap3A_371, %swap3A_372], %sub3A_369 {strides = array<i32>} : memref<512x16xi32, #tpu.memory_space<vmem>>, vector<16xi32>,
    %get3A_374 = arith.constant 160 : index
    %get3A_375 = tpu.vector_load %arg6[%get3A_374] {strides = array<i32>} : memref<8192xf32, #tpu.memory_space<vmem>>, vector<16xf32>,
    %mul3A_376 = arith.constant 1.960000e+02 : f32
    %mul3A_377 = vector.broadcast %mul3A_376 : f32 to vector<16xf32>
    %mul3A_378 = arith.mulf %get3A_375, %mul3A_377 : vector<16xf32>
    %convert_element_type3A_379 = arith.fptosi %mul3A_378 : vector<16xf32> to vector<16xi32>
    %add3A_380 = arith.constant 1 : i32
    %add3A_381 = vector.broadcast %add3A_380 : i32 to vector<16xi32>
    %add3A_382 = arith.addi %convert_element_type3A_379, %add3A_381 : vector<16xi32>
    %jit3A_383 = arith.constant 0 : i32
    %jit3A_384 = arith.constant 99 : i32
    %max3A_385 = vector.broadcast %jit3A_383 : i32 to vector<16xi32>
    %max3A_386 = arith.maxsi %max3A_385, %add3A_382 : vector<16xi32>
    %min3A_387 = vector.broadcast %jit3A_384 : i32 to vector<16xi32>
    %min3A_388 = arith.minsi %min3A_387, %max3A_386 : vector<16xi32>
    %gather3A_389 = tpu.vector_load_idx %arg8[%min3A_388] : memref<112xf32, #tpu.memory_space<vmem>>[vector<16xi32>], vector<16xf32>,
    %add3A_390 = arith.constant 1 : i32
    %add3A_391 = vector.broadcast %add3A_390 : i32 to vector<16xi32>
    %add3A_392 = arith.addi %min3A_388, %add3A_391 : vector<16xi32>
    %gather3A_393 = tpu.vector_load_idx %arg8[%add3A_392] : memref<112xf32, #tpu.memory_space<vmem>>[vector<16xi32>], vector<16xf32>,
    %ge3A_394 = arith.cmpf oge, %get3A_375, %gather3A_393 : vector<16xf32>
    %jit3A_395 = arith.constant 1 : i32
    %jit3A_396 = arith.constant 0 : i32
    %broadcast_in_dim3A_397 = vector.broadcast %jit3A_395 : i32 to vector<16xi32>
    %broadcast_in_dim3A_398 = vector.broadcast %jit3A_396 : i32 to vector<16xi32>
    %select_n3A_399 = arith.select %ge3A_394, %broadcast_in_dim3A_397, %broadcast_in_dim3A_398 : vector<16xi1>, vector<16xi32>
    %add3A_400 = arith.addi %min3A_388, %select_n3A_399 : vector<16xi32>
    %lt3A_401 = arith.cmpf olt, %get3A_375, %gather3A_389 : vector<16xf32>
    %jit3A_402 = arith.constant 1 : i32
    %jit3A_403 = arith.constant 0 : i32
    %broadcast_in_dim3A_404 = vector.broadcast %jit3A_402 : i32 to vector<16xi32>
    %broadcast_in_dim3A_405 = vector.broadcast %jit3A_403 : i32 to vector<16xi32>
    %select_n3A_406 = arith.select %lt3A_401, %broadcast_in_dim3A_404, %broadcast_in_dim3A_405 : vector<16xi1>, vector<16xi32>
    %sub3A_407 = arith.subi %add3A_400, %select_n3A_406 : vector<16xi32>
    %swap3A_408 = arith.constant 10 : i32
    %swap3A_409 = arith.index_cast %swap3A_408 : i32 to index
    %swap3A_410 = arith.constant 0 : index
    %swap3A_411 = tpu.vector_load %arg7[%swap3A_409, %swap3A_410] {strides = array<i32>} : memref<512x16xi32, #tpu.memory_space<vmem>>, vector<16xi32>,
    tpu.vector_store %arg7[%swap3A_409, %swap3A_410], %sub3A_407 {strides = array<i32>} : memref<512x16xi32, #tpu.memory_space<vmem>>, vector<16xi32>,
    %get3A_412 = arith.constant 176 : index
    %get3A_413 = tpu.vector_load %arg6[%get3A_412] {strides = array<i32>} : memref<8192xf32, #tpu.memory_space<vmem>>, vector<16xf32>,
    %mul3A_414 = arith.constant 1.960000e+02 : f32
    %mul3A_415 = vector.broadcast %mul3A_414 : f32 to vector<16xf32>
    %mul3A_416 = arith.mulf %get3A_413, %mul3A_415 : vector<16xf32>
    %convert_element_type3A_417 = arith.fptosi %mul3A_416 : vector<16xf32> to vector<16xi32>
    %add3A_418 = arith.constant 1 : i32
    %add3A_419 = vector.broadcast %add3A_418 : i32 to vector<16xi32>
    %add3A_420 = arith.addi %convert_element_type3A_417, %add3A_419 : vector<16xi32>
    %jit3A_421 = arith.constant 0 : i32
    %jit3A_422 = arith.constant 99 : i32
    %max3A_423 = vector.broadcast %jit3A_421 : i32 to vector<16xi32>
    %max3A_424 = arith.maxsi %max3A_423, %add3A_420 : vector<16xi32>
    %min3A_425 = vector.broadcast %jit3A_422 : i32 to vector<16xi32>
    %min3A_426 = arith.minsi %min3A_425, %max3A_424 : vector<16xi32>
    %gather3A_427 = tpu.vector_load_idx %arg8[%min3A_426] : memref<112xf32, #tpu.memory_space<vmem>>[vector<16xi32>], vector<16xf32>,
    %add3A_428 = arith.constant 1 : i32
    %add3A_429 = vector.broadcast %add3A_428 : i32 to vector<16xi32>
    %add3A_430 = arith.addi %min3A_426, %add3A_429 : vector<16xi32>
    %gather3A_431 = tpu.vector_load_idx %arg8[%add3A_430] : memref<112xf32, #tpu.memory_space<vmem>>[vector<16xi32>], vector<16xf32>,
    %ge3A_432 = arith.cmpf oge, %get3A_413, %gather3A_431 : vector<16xf32>
    %jit3A_433 = arith.constant 1 : i32
    %jit3A_434 = arith.constant 0 : i32
    %broadcast_in_dim3A_435 = vector.broadcast %jit3A_433 : i32 to vector<16xi32>
    %broadcast_in_dim3A_436 = vector.broadcast %jit3A_434 : i32 to vector<16xi32>
    %select_n3A_437 = arith.select %ge3A_432, %broadcast_in_dim3A_435, %broadcast_in_dim3A_436 : vector<16xi1>, vector<16xi32>
    %add3A_438 = arith.addi %min3A_426, %select_n3A_437 : vector<16xi32>
    %lt3A_439 = arith.cmpf olt, %get3A_413, %gather3A_427 : vector<16xf32>
    %jit3A_440 = arith.constant 1 : i32
    %jit3A_441 = arith.constant 0 : i32
    %broadcast_in_dim3A_442 = vector.broadcast %jit3A_440 : i32 to vector<16xi32>
    %broadcast_in_dim3A_443 = vector.broadcast %jit3A_441 : i32 to vector<16xi32>
    %select_n3A_444 = arith.select %lt3A_439, %broadcast_in_dim3A_442, %broadcast_in_dim3A_443 : vector<16xi1>, vector<16xi32>
    %sub3A_445 = arith.subi %add3A_438, %select_n3A_444 : vector<16xi32>
    %swap3A_446 = arith.constant 11 : i32
    %swap3A_447 = arith.index_cast %swap3A_446 : i32 to index
    %swap3A_448 = arith.constant 0 : index
    %swap3A_449 = tpu.vector_load %arg7[%swap3A_447, %swap3A_448] {strides = array<i32>} : memref<512x16xi32, #tpu.memory_space<vmem>>, vector<16xi32>,
    tpu.vector_store %arg7[%swap3A_447, %swap3A_448], %sub3A_445 {strides = array<i32>} : memref<512x16xi32, #tpu.memory_space<vmem>>, vector<16xi32>,
    %eq3A_450 = arith.constant 0 : i32
    %eq3A_451 = arith.cmpi eq, %arg1, %eq3A_450 : i32
    %convert_element_type3A_452 = arith.extui %eq3A_451 : i1 to i32
    %cond3A_453 = arith.constant 0 : i32
    %cond3A_454 = arith.cmpi ne, %convert_element_type3A_452, %cond3A_453 : i32
    scf.if %cond3A_454 {
      tpu.wait_dma2 semaphore(%arg11 : memref<!tpu.dma_semaphore, #tpu.memory_space<semaphore_mem>>) src(%arg3 : memref<100x128xf32, #tpu.memory_space<hbm>>) dst(%arg10 : memref<100x128xf32, #tpu.memory_space<vmem_shared>>)
    } else {
    }
    %barrier3A = arith.constant 0 : index
    tpu.barrier barrier_id(%barrier3A)
    %dma_start3A = arith.constant 0 : i32
    %dma_start3A_455 = arith.constant 0 : i32
    %dma_start3A_456 = arith.constant 0 : i32
    %dma_start3A_457 = arith.constant 0 : i32
    %dma_start3A_458 = tpu.memref_slice %arg9[%dma_start3A_455, %dma_start3A_456, %dma_start3A_457] : memref<24x16x128xf32, #tpu.memory_space<vmem>> -> memref<1x16x128xf32, #tpu.memory_space<vmem>>
    %dma_start3A_459 = tpu.memref_squeeze %dma_start3A_458 : memref<1x16x128xf32, #tpu.memory_space<vmem>> -> memref<16x128xf32, #tpu.memory_space<vmem>>
    %dma_start3A_460 = arith.constant 0 : i32
    %dma_start3A_461 = tpu.memref_slice %arg7[%dma_start3A, %dma_start3A_460] : memref<512x16xi32, #tpu.memory_space<vmem>> -> memref<1x16xi32, #tpu.memory_space<vmem>>
    %dma_start3A_462 = tpu.memref_squeeze %dma_start3A_461 : memref<1x16xi32, #tpu.memory_space<vmem>> -> memref<16xi32, #tpu.memory_space<vmem>>
    %dma_start3A_463 = arith.constant 0 : i32
    %dma_start3A_464 = arith.constant 0 : i32
    %dma_start3A_465 = tpu.memref_slice %arg10[%dma_start3A_463, %dma_start3A_464] : memref<100x128xf32, #tpu.memory_space<vmem_shared>> -> memref<100x128xf32, #tpu.memory_space<vmem_shared>>
    tpu.enqueue_indirect_dma source(%dma_start3A_465 : memref<100x128xf32, #tpu.memory_space<vmem_shared>>) target(%dma_start3A_459 : memref<16x128xf32, #tpu.memory_space<vmem>>) offsets(%dma_start3A_462 : memref<16xi32, #tpu.memory_space<vmem>>) semaphore(%arg11 : memref<!tpu.dma_semaphore, #tpu.memory_space<semaphore_mem>>)
    %dma_start3A_466 = arith.constant 1 : i32
    %dma_start3A_467 = arith.constant 1 : i32
    %dma_start3A_468 = arith.constant 0 : i32
    %dma_start3A_469 = arith.constant 0 : i32
    %dma_start3A_470 = tpu.memref_slice %arg9[%dma_start3A_467, %dma_start3A_468, %dma_start3A_469] : memref<24x16x128xf32, #tpu.memory_space<vmem>> -> memref<1x16x128xf32, #tpu.memory_space<vmem>>
    %dma_start3A_471 = tpu.memref_squeeze %dma_start3A_470 : memref<1x16x128xf32, #tpu.memory_space<vmem>> -> memref<16x128xf32, #tpu.memory_space<vmem>>
    %dma_start3A_472 = arith.constant 0 : i32
    %dma_start3A_473 = tpu.memref_slice %arg7[%dma_start3A_466, %dma_start3A_472] : memref<512x16xi32, #tpu.memory_space<vmem>> -> memref<1x16xi32, #tpu.memory_space<vmem>>
    %dma_start3A_474 = tpu.memref_squeeze %dma_start3A_473 : memref<1x16xi32, #tpu.memory_space<vmem>> -> memref<16xi32, #tpu.memory_space<vmem>>
    %dma_start3A_475 = arith.constant 0 : i32
    %dma_start3A_476 = arith.constant 0 : i32
    %dma_start3A_477 = tpu.memref_slice %arg10[%dma_start3A_475, %dma_start3A_476] : memref<100x128xf32, #tpu.memory_space<vmem_shared>> -> memref<100x128xf32, #tpu.memory_space<vmem_shared>>
    tpu.enqueue_indirect_dma source(%dma_start3A_477 : memref<100x128xf32, #tpu.memory_space<vmem_shared>>) target(%dma_start3A_471 : memref<16x128xf32, #tpu.memory_space<vmem>>) offsets(%dma_start3A_474 : memref<16xi32, #tpu.memory_space<vmem>>) semaphore(%arg11 : memref<!tpu.dma_semaphore, #tpu.memory_space<semaphore_mem>>)
    %dma_start3A_478 = arith.constant 2 : i32
    %dma_start3A_479 = arith.constant 2 : i32
    %dma_start3A_480 = arith.constant 0 : i32
    %dma_start3A_481 = arith.constant 0 : i32
    %dma_start3A_482 = tpu.memref_slice %arg9[%dma_start3A_479, %dma_start3A_480, %dma_start3A_481] : memref<24x16x128xf32, #tpu.memory_space<vmem>> -> memref<1x16x128xf32, #tpu.memory_space<vmem>>
    %dma_start3A_483 = tpu.memref_squeeze %dma_start3A_482 : memref<1x16x128xf32, #tpu.memory_space<vmem>> -> memref<16x128xf32, #tpu.memory_space<vmem>>
    %dma_start3A_484 = arith.constant 0 : i32
    %dma_start3A_485 = tpu.memref_slice %arg7[%dma_start3A_478, %dma_start3A_484] : memref<512x16xi32, #tpu.memory_space<vmem>> -> memref<1x16xi32, #tpu.memory_space<vmem>>
    %dma_start3A_486 = tpu.memref_squeeze %dma_start3A_485 : memref<1x16xi32, #tpu.memory_space<vmem>> -> memref<16xi32, #tpu.memory_space<vmem>>
    %dma_start3A_487 = arith.constant 0 : i32
    %dma_start3A_488 = arith.constant 0 : i32
    %dma_start3A_489 = tpu.memref_slice %arg10[%dma_start3A_487, %dma_start3A_488] : memref<100x128xf32, #tpu.memory_space<vmem_shared>> -> memref<100x128xf32, #tpu.memory_space<vmem_shared>>
    tpu.enqueue_indirect_dma source(%dma_start3A_489 : memref<100x128xf32, #tpu.memory_space<vmem_shared>>) target(%dma_start3A_483 : memref<16x128xf32, #tpu.memory_space<vmem>>) offsets(%dma_start3A_486 : memref<16xi32, #tpu.memory_space<vmem>>) semaphore(%arg11 : memref<!tpu.dma_semaphore, #tpu.memory_space<semaphore_mem>>)
    %dma_start3A_490 = arith.constant 3 : i32
    %dma_start3A_491 = arith.constant 3 : i32
    %dma_start3A_492 = arith.constant 0 : i32
    %dma_start3A_493 = arith.constant 0 : i32
    %dma_start3A_494 = tpu.memref_slice %arg9[%dma_start3A_491, %dma_start3A_492, %dma_start3A_493] : memref<24x16x128xf32, #tpu.memory_space<vmem>> -> memref<1x16x128xf32, #tpu.memory_space<vmem>>
    %dma_start3A_495 = tpu.memref_squeeze %dma_start3A_494 : memref<1x16x128xf32, #tpu.memory_space<vmem>> -> memref<16x128xf32, #tpu.memory_space<vmem>>
    %dma_start3A_496 = arith.constant 0 : i32
    %dma_start3A_497 = tpu.memref_slice %arg7[%dma_start3A_490, %dma_start3A_496] : memref<512x16xi32, #tpu.memory_space<vmem>> -> memref<1x16xi32, #tpu.memory_space<vmem>>
    %dma_start3A_498 = tpu.memref_squeeze %dma_start3A_497 : memref<1x16xi32, #tpu.memory_space<vmem>> -> memref<16xi32, #tpu.memory_space<vmem>>
    %dma_start3A_499 = arith.constant 0 : i32
    %dma_start3A_500 = arith.constant 0 : i32
    %dma_start3A_501 = tpu.memref_slice %arg10[%dma_start3A_499, %dma_start3A_500] : memref<100x128xf32, #tpu.memory_space<vmem_shared>> -> memref<100x128xf32, #tpu.memory_space<vmem_shared>>
    tpu.enqueue_indirect_dma source(%dma_start3A_501 : memref<100x128xf32, #tpu.memory_space<vmem_shared>>) target(%dma_start3A_495 : memref<16x128xf32, #tpu.memory_space<vmem>>) offsets(%dma_start3A_498 : memref<16xi32, #tpu.memory_space<vmem>>) semaphore(%arg11 : memref<!tpu.dma_semaphore, #tpu.memory_space<semaphore_mem>>)
    %dma_start3A_502 = arith.constant 4 : i32
    %dma_start3A_503 = arith.constant 4 : i32
    %dma_start3A_504 = arith.constant 0 : i32
    %dma_start3A_505 = arith.constant 0 : i32
    %dma_start3A_506 = tpu.memref_slice %arg9[%dma_start3A_503, %dma_start3A_504, %dma_start3A_505] : memref<24x16x128xf32, #tpu.memory_space<vmem>> -> memref<1x16x128xf32, #tpu.memory_space<vmem>>
    %dma_start3A_507 = tpu.memref_squeeze %dma_start3A_506 : memref<1x16x128xf32, #tpu.memory_space<vmem>> -> memref<16x128xf32, #tpu.memory_space<vmem>>
    %dma_start3A_508 = arith.constant 0 : i32
    %dma_start3A_509 = tpu.memref_slice %arg7[%dma_start3A_502, %dma_start3A_508] : memref<512x16xi32, #tpu.memory_space<vmem>> -> memref<1x16xi32, #tpu.memory_space<vmem>>
    %dma_start3A_510 = tpu.memref_squeeze %dma_start3A_509 : memref<1x16xi32, #tpu.memory_space<vmem>> -> memref<16xi32, #tpu.memory_space<vmem>>
    %dma_start3A_511 = arith.constant 0 : i32
    %dma_start3A_512 = arith.constant 0 : i32
    %dma_start3A_513 = tpu.memref_slice %arg10[%dma_start3A_511, %dma_start3A_512] : memref<100x128xf32, #tpu.memory_space<vmem_shared>> -> memref<100x128xf32, #tpu.memory_space<vmem_shared>>
    tpu.enqueue_indirect_dma source(%dma_start3A_513 : memref<100x128xf32, #tpu.memory_space<vmem_shared>>) target(%dma_start3A_507 : memref<16x128xf32, #tpu.memory_space<vmem>>) offsets(%dma_start3A_510 : memref<16xi32, #tpu.memory_space<vmem>>) semaphore(%arg11 : memref<!tpu.dma_semaphore, #tpu.memory_space<semaphore_mem>>)
    %dma_start3A_514 = arith.constant 5 : i32
    %dma_start3A_515 = arith.constant 5 : i32
    %dma_start3A_516 = arith.constant 0 : i32
    %dma_start3A_517 = arith.constant 0 : i32
    %dma_start3A_518 = tpu.memref_slice %arg9[%dma_start3A_515, %dma_start3A_516, %dma_start3A_517] : memref<24x16x128xf32, #tpu.memory_space<vmem>> -> memref<1x16x128xf32, #tpu.memory_space<vmem>>
    %dma_start3A_519 = tpu.memref_squeeze %dma_start3A_518 : memref<1x16x128xf32, #tpu.memory_space<vmem>> -> memref<16x128xf32, #tpu.memory_space<vmem>>
    %dma_start3A_520 = arith.constant 0 : i32
    %dma_start3A_521 = tpu.memref_slice %arg7[%dma_start3A_514, %dma_start3A_520] : memref<512x16xi32, #tpu.memory_space<vmem>> -> memref<1x16xi32, #tpu.memory_space<vmem>>
    %dma_start3A_522 = tpu.memref_squeeze %dma_start3A_521 : memref<1x16xi32, #tpu.memory_space<vmem>> -> memref<16xi32, #tpu.memory_space<vmem>>
    %dma_start3A_523 = arith.constant 0 : i32
    %dma_start3A_524 = arith.constant 0 : i32
    %dma_start3A_525 = tpu.memref_slice %arg10[%dma_start3A_523, %dma_start3A_524] : memref<100x128xf32, #tpu.memory_space<vmem_shared>> -> memref<100x128xf32, #tpu.memory_space<vmem_shared>>
    tpu.enqueue_indirect_dma source(%dma_start3A_525 : memref<100x128xf32, #tpu.memory_space<vmem_shared>>) target(%dma_start3A_519 : memref<16x128xf32, #tpu.memory_space<vmem>>) offsets(%dma_start3A_522 : memref<16xi32, #tpu.memory_space<vmem>>) semaphore(%arg11 : memref<!tpu.dma_semaphore, #tpu.memory_space<semaphore_mem>>)
    %dma_start3A_526 = arith.constant 6 : i32
    %dma_start3A_527 = arith.constant 6 : i32
    %dma_start3A_528 = arith.constant 0 : i32
    %dma_start3A_529 = arith.constant 0 : i32
    %dma_start3A_530 = tpu.memref_slice %arg9[%dma_start3A_527, %dma_start3A_528, %dma_start3A_529] : memref<24x16x128xf32, #tpu.memory_space<vmem>> -> memref<1x16x128xf32, #tpu.memory_space<vmem>>
    %dma_start3A_531 = tpu.memref_squeeze %dma_start3A_530 : memref<1x16x128xf32, #tpu.memory_space<vmem>> -> memref<16x128xf32, #tpu.memory_space<vmem>>
    %dma_start3A_532 = arith.constant 0 : i32
    %dma_start3A_533 = tpu.memref_slice %arg7[%dma_start3A_526, %dma_start3A_532] : memref<512x16xi32, #tpu.memory_space<vmem>> -> memref<1x16xi32, #tpu.memory_space<vmem>>
    %dma_start3A_534 = tpu.memref_squeeze %dma_start3A_533 : memref<1x16xi32, #tpu.memory_space<vmem>> -> memref<16xi32, #tpu.memory_space<vmem>>
    %dma_start3A_535 = arith.constant 0 : i32
    %dma_start3A_536 = arith.constant 0 : i32
    %dma_start3A_537 = tpu.memref_slice %arg10[%dma_start3A_535, %dma_start3A_536] : memref<100x128xf32, #tpu.memory_space<vmem_shared>> -> memref<100x128xf32, #tpu.memory_space<vmem_shared>>
    tpu.enqueue_indirect_dma source(%dma_start3A_537 : memref<100x128xf32, #tpu.memory_space<vmem_shared>>) target(%dma_start3A_531 : memref<16x128xf32, #tpu.memory_space<vmem>>) offsets(%dma_start3A_534 : memref<16xi32, #tpu.memory_space<vmem>>) semaphore(%arg11 : memref<!tpu.dma_semaphore, #tpu.memory_space<semaphore_mem>>)
    %dma_start3A_538 = arith.constant 7 : i32
    %dma_start3A_539 = arith.constant 7 : i32
    %dma_start3A_540 = arith.constant 0 : i32
    %dma_start3A_541 = arith.constant 0 : i32
    %dma_start3A_542 = tpu.memref_slice %arg9[%dma_start3A_539, %dma_start3A_540, %dma_start3A_541] : memref<24x16x128xf32, #tpu.memory_space<vmem>> -> memref<1x16x128xf32, #tpu.memory_space<vmem>>
    %dma_start3A_543 = tpu.memref_squeeze %dma_start3A_542 : memref<1x16x128xf32, #tpu.memory_space<vmem>> -> memref<16x128xf32, #tpu.memory_space<vmem>>
    %dma_start3A_544 = arith.constant 0 : i32
    %dma_start3A_545 = tpu.memref_slice %arg7[%dma_start3A_538, %dma_start3A_544] : memref<512x16xi32, #tpu.memory_space<vmem>> -> memref<1x16xi32, #tpu.memory_space<vmem>>
    %dma_start3A_546 = tpu.memref_squeeze %dma_start3A_545 : memref<1x16xi32, #tpu.memory_space<vmem>> -> memref<16xi32, #tpu.memory_space<vmem>>
    %dma_start3A_547 = arith.constant 0 : i32
    %dma_start3A_548 = arith.constant 0 : i32
    %dma_start3A_549 = tpu.memref_slice %arg10[%dma_start3A_547, %dma_start3A_548] : memref<100x128xf32, #tpu.memory_space<vmem_shared>> -> memref<100x128xf32, #tpu.memory_space<vmem_shared>>
    tpu.enqueue_indirect_dma source(%dma_start3A_549 : memref<100x128xf32, #tpu.memory_space<vmem_shared>>) target(%dma_start3A_543 : memref<16x128xf32, #tpu.memory_space<vmem>>) offsets(%dma_start3A_546 : memref<16xi32, #tpu.memory_space<vmem>>) semaphore(%arg11 : memref<!tpu.dma_semaphore, #tpu.memory_space<semaphore_mem>>)
    %dma_start3A_550 = arith.constant 8 : i32
    %dma_start3A_551 = arith.constant 8 : i32
    %dma_start3A_552 = arith.constant 0 : i32
    %dma_start3A_553 = arith.constant 0 : i32
    %dma_start3A_554 = tpu.memref_slice %arg9[%dma_start3A_551, %dma_start3A_552, %dma_start3A_553] : memref<24x16x128xf32, #tpu.memory_space<vmem>> -> memref<1x16x128xf32, #tpu.memory_space<vmem>>
    %dma_start3A_555 = tpu.memref_squeeze %dma_start3A_554 : memref<1x16x128xf32, #tpu.memory_space<vmem>> -> memref<16x128xf32, #tpu.memory_space<vmem>>
    %dma_start3A_556 = arith.constant 0 : i32
    %dma_start3A_557 = tpu.memref_slice %arg7[%dma_start3A_550, %dma_start3A_556] : memref<512x16xi32, #tpu.memory_space<vmem>> -> memref<1x16xi32, #tpu.memory_space<vmem>>
    %dma_start3A_558 = tpu.memref_squeeze %dma_start3A_557 : memref<1x16xi32, #tpu.memory_space<vmem>> -> memref<16xi32, #tpu.memory_space<vmem>>
    %dma_start3A_559 = arith.constant 0 : i32
    %dma_start3A_560 = arith.constant 0 : i32
    %dma_start3A_561 = tpu.memref_slice %arg10[%dma_start3A_559, %dma_start3A_560] : memref<100x128xf32, #tpu.memory_space<vmem_shared>> -> memref<100x128xf32, #tpu.memory_space<vmem_shared>>
    tpu.enqueue_indirect_dma source(%dma_start3A_561 : memref<100x128xf32, #tpu.memory_space<vmem_shared>>) target(%dma_start3A_555 : memref<16x128xf32, #tpu.memory_space<vmem>>) offsets(%dma_start3A_558 : memref<16xi32, #tpu.memory_space<vmem>>) semaphore(%arg11 : memref<!tpu.dma_semaphore, #tpu.memory_space<semaphore_mem>>)
    %dma_start3A_562 = arith.constant 9 : i32
    %dma_start3A_563 = arith.constant 9 : i32
    %dma_start3A_564 = arith.constant 0 : i32
    %dma_start3A_565 = arith.constant 0 : i32
    %dma_start3A_566 = tpu.memref_slice %arg9[%dma_start3A_563, %dma_start3A_564, %dma_start3A_565] : memref<24x16x128xf32, #tpu.memory_space<vmem>> -> memref<1x16x128xf32, #tpu.memory_space<vmem>>
    %dma_start3A_567 = tpu.memref_squeeze %dma_start3A_566 : memref<1x16x128xf32, #tpu.memory_space<vmem>> -> memref<16x128xf32, #tpu.memory_space<vmem>>
    %dma_start3A_568 = arith.constant 0 : i32
    %dma_start3A_569 = tpu.memref_slice %arg7[%dma_start3A_562, %dma_start3A_568] : memref<512x16xi32, #tpu.memory_space<vmem>> -> memref<1x16xi32, #tpu.memory_space<vmem>>
    %dma_start3A_570 = tpu.memref_squeeze %dma_start3A_569 : memref<1x16xi32, #tpu.memory_space<vmem>> -> memref<16xi32, #tpu.memory_space<vmem>>
    %dma_start3A_571 = arith.constant 0 : i32
    %dma_start3A_572 = arith.constant 0 : i32
    %dma_start3A_573 = tpu.memref_slice %arg10[%dma_start3A_571, %dma_start3A_572] : memref<100x128xf32, #tpu.memory_space<vmem_shared>> -> memref<100x128xf32, #tpu.memory_space<vmem_shared>>
    tpu.enqueue_indirect_dma source(%dma_start3A_573 : memref<100x128xf32, #tpu.memory_space<vmem_shared>>) target(%dma_start3A_567 : memref<16x128xf32, #tpu.memory_space<vmem>>) offsets(%dma_start3A_570 : memref<16xi32, #tpu.memory_space<vmem>>) semaphore(%arg11 : memref<!tpu.dma_semaphore, #tpu.memory_space<semaphore_mem>>)
    %dma_start3A_574 = arith.constant 10 : i32
    %dma_start3A_575 = arith.constant 10 : i32
    %dma_start3A_576 = arith.constant 0 : i32
    %dma_start3A_577 = arith.constant 0 : i32
    %dma_start3A_578 = tpu.memref_slice %arg9[%dma_start3A_575, %dma_start3A_576, %dma_start3A_577] : memref<24x16x128xf32, #tpu.memory_space<vmem>> -> memref<1x16x128xf32, #tpu.memory_space<vmem>>
    %dma_start3A_579 = tpu.memref_squeeze %dma_start3A_578 : memref<1x16x128xf32, #tpu.memory_space<vmem>> -> memref<16x128xf32, #tpu.memory_space<vmem>>
    %dma_start3A_580 = arith.constant 0 : i32
    %dma_start3A_581 = tpu.memref_slice %arg7[%dma_start3A_574, %dma_start3A_580] : memref<512x16xi32, #tpu.memory_space<vmem>> -> memref<1x16xi32, #tpu.memory_space<vmem>>
    %dma_start3A_582 = tpu.memref_squeeze %dma_start3A_581 : memref<1x16xi32, #tpu.memory_space<vmem>> -> memref<16xi32, #tpu.memory_space<vmem>>
    %dma_start3A_583 = arith.constant 0 : i32
    %dma_start3A_584 = arith.constant 0 : i32
    %dma_start3A_585 = tpu.memref_slice %arg10[%dma_start3A_583, %dma_start3A_584] : memref<100x128xf32, #tpu.memory_space<vmem_shared>> -> memref<100x128xf32, #tpu.memory_space<vmem_shared>>
    tpu.enqueue_indirect_dma source(%dma_start3A_585 : memref<100x128xf32, #tpu.memory_space<vmem_shared>>) target(%dma_start3A_579 : memref<16x128xf32, #tpu.memory_space<vmem>>) offsets(%dma_start3A_582 : memref<16xi32, #tpu.memory_space<vmem>>) semaphore(%arg11 : memref<!tpu.dma_semaphore, #tpu.memory_space<semaphore_mem>>)
    %dma_start3A_586 = arith.constant 11 : i32
    %dma_start3A_587 = arith.constant 11 : i32
    %dma_start3A_588 = arith.constant 0 : i32
    %dma_start3A_589 = arith.constant 0 : i32
    %dma_start3A_590 = tpu.memref_slice %arg9[%dma_start3A_587, %dma_start3A_588, %dma_start3A_589] : memref<24x16x128xf32, #tpu.memory_space<vmem>> -> memref<1x16x128xf32, #tpu.memory_space<vmem>>
    %dma_start3A_591 = tpu.memref_squeeze %dma_start3A_590 : memref<1x16x128xf32, #tpu.memory_space<vmem>> -> memref<16x128xf32, #tpu.memory_space<vmem>>
    %dma_start3A_592 = arith.constant 0 : i32
    %dma_start3A_593 = tpu.memref_slice %arg7[%dma_start3A_586, %dma_start3A_592] : memref<512x16xi32, #tpu.memory_space<vmem>> -> memref<1x16xi32, #tpu.memory_space<vmem>>
    %dma_start3A_594 = tpu.memref_squeeze %dma_start3A_593 : memref<1x16xi32, #tpu.memory_space<vmem>> -> memref<16xi32, #tpu.memory_space<vmem>>
    %dma_start3A_595 = arith.constant 0 : i32
    %dma_start3A_596 = arith.constant 0 : i32
    %dma_start3A_597 = tpu.memref_slice %arg10[%dma_start3A_595, %dma_start3A_596] : memref<100x128xf32, #tpu.memory_space<vmem_shared>> -> memref<100x128xf32, #tpu.memory_space<vmem_shared>>
    tpu.enqueue_indirect_dma source(%dma_start3A_597 : memref<100x128xf32, #tpu.memory_space<vmem_shared>>) target(%dma_start3A_591 : memref<16x128xf32, #tpu.memory_space<vmem>>) offsets(%dma_start3A_594 : memref<16xi32, #tpu.memory_space<vmem>>) semaphore(%arg11 : memref<!tpu.dma_semaphore, #tpu.memory_space<semaphore_mem>>)
    %scan3A = arith.constant 0 : i32
    %scan3A_598 = arith.constant 0 : i32
    %scan3A_599 = arith.constant 512 : i32
    %scan3A_600 = arith.addi %scan3A_598, %scan3A_599 : i32
    %scan3A_601 = arith.constant 1 : i32
    scf.for %scan3A_914 = %scan3A_598 to %scan3A_600 step %scan3A_601  : i32 {
      %dma_wait3A_915 = arith.constant 0 : i32
      %dma_wait3A_916 = arith.constant 0 : i32
      %dma_wait3A_917 = arith.constant 0 : i32
      %dma_wait3A_918 = arith.constant 0 : i32
      %dma_wait3A_919 = tpu.memref_slice %arg9[%dma_wait3A_916, %dma_wait3A_917, %dma_wait3A_918] : memref<24x16x128xf32, #tpu.memory_space<vmem>> -> memref<1x16x128xf32, #tpu.memory_space<vmem>>
      %dma_wait3A_920 = tpu.memref_squeeze %dma_wait3A_919 : memref<1x16x128xf32, #tpu.memory_space<vmem>> -> memref<16x128xf32, #tpu.memory_space<vmem>>
      %dma_wait3A_921 = arith.constant 0 : i32
      %dma_wait3A_922 = tpu.memref_slice %arg7[%dma_wait3A_915, %dma_wait3A_921] : memref<512x16xi32, #tpu.memory_space<vmem>> -> memref<1x16xi32, #tpu.memory_space<vmem>>
      %dma_wait3A_923 = tpu.memref_squeeze %dma_wait3A_922 : memref<1x16xi32, #tpu.memory_space<vmem>> -> memref<16xi32, #tpu.memory_space<vmem>>
      %dma_wait3A_924 = arith.constant 0 : i32
      %dma_wait3A_925 = arith.constant 0 : i32
      %dma_wait3A_926 = tpu.memref_slice %arg10[%dma_wait3A_924, %dma_wait3A_925] : memref<100x128xf32, #tpu.memory_space<vmem_shared>> -> memref<100x128xf32, #tpu.memory_space<vmem_shared>>
      tpu.wait_indirect_dma semaphore(%arg11 : memref<!tpu.dma_semaphore, #tpu.memory_space<semaphore_mem>>) src(%dma_wait3A_926 : memref<100x128xf32, #tpu.memory_space<vmem_shared>>) dst(%dma_wait3A_920 : memref<16x128xf32, #tpu.memory_space<vmem>>)
      %rem3A = arith.constant 24 : i32
      %rem3A_927 = arith.remsi %scan3A_914, %rem3A : i32
      %mul3A_928 = arith.constant 16 : i32
      %mul3A_929 = arith.muli %scan3A_914, %mul3A_928 : i32
      %add3A_930 = arith.addi %mul3A_2, %mul3A_929 : i32
      %dma_start3A_931 = arith.constant 0 : i32
      %dma_start3A_932 = arith.constant 0 : i32
      %dma_start3A_933 = tpu.memref_slice %arg9[%rem3A_927, %dma_start3A_931, %dma_start3A_932] : memref<24x16x128xf32, #tpu.memory_space<vmem>> -> memref<1x16x128xf32, #tpu.memory_space<vmem>>
      %dma_start3A_934 = tpu.memref_squeeze %dma_start3A_933 : memref<1x16x128xf32, #tpu.memory_space<vmem>> -> memref<16x128xf32, #tpu.memory_space<vmem>>
      %dma_start3A_935 = arith.constant 0 : i32
      %dma_start3A_936 = tpu.memref_slice %arg5[%add3A_930, %dma_start3A_935] : memref<262144x128xf32, #tpu.memory_space<hbm>> -> memref<16x128xf32, #tpu.memory_space<hbm>>
      %dma_start3A_937 = arith.constant 0 : i32
      %dma_start3A_938 = tpu.memref_slice %arg5[%add3A_930, %dma_start3A_937] : memref<262144x128xf32, #tpu.memory_space<hbm>> -> memref<16x128xf32, #tpu.memory_space<hbm>>
      %dma_start3A_939 = arith.constant 0 : i32
      %dma_start3A_940 = arith.constant 0 : i32
      %dma_start3A_941 = tpu.memref_slice %arg9[%rem3A_927, %dma_start3A_939, %dma_start3A_940] : memref<24x16x128xf32, #tpu.memory_space<vmem>> -> memref<1x16x128xf32, #tpu.memory_space<vmem>>
      %dma_start3A_942 = tpu.memref_squeeze %dma_start3A_941 : memref<1x16x128xf32, #tpu.memory_space<vmem>> -> memref<16x128xf32, #tpu.memory_space<vmem>>
      tpu.enqueue_dma source(%dma_start3A_942 : memref<16x128xf32, #tpu.memory_space<vmem>>) target(%dma_start3A_938 : memref<16x128xf32, #tpu.memory_space<hbm>>) target_semaphore(%arg12 : memref<!tpu.dma_semaphore, #tpu.memory_space<semaphore_mem>>)
      %add3A_943 = arith.constant 12 : i32
      %add3A_944 = arith.addi %scan3A_914, %add3A_943 : i32
      %lt3A_945 = arith.constant 512 : i32
      %lt3A_946 = arith.cmpi slt, %add3A_944, %lt3A_945 : i32
      %convert_element_type3A_947 = arith.extui %lt3A_946 : i1 to i32
      %cond3A_948 = arith.constant 0 : i32
      %cond3A_949 = arith.cmpi ne, %convert_element_type3A_947, %cond3A_948 : i32
      scf.if %cond3A_949 {
        %add3A_950 = arith.constant 12 : i32
        %add3A_951 = arith.addi %scan3A_914, %add3A_950 : i32
        %mul3A_952 = arith.constant 16 : i32
        %mul3A_953 = arith.muli %add3A_951, %mul3A_952 : i32
        %add3A_954 = arith.constant 0 : i32
        %add3A_955 = arith.addi %mul3A_953, %add3A_954 : i32
        %get3A_956 = arith.index_cast %add3A_955 : i32 to index
        %get3A_957 = tpu.vector_load %arg6[%get3A_956] {strides = array<i32>} : memref<8192xf32, #tpu.memory_space<vmem>>, vector<16xf32>,
        %mul3A_958 = arith.constant 1.960000e+02 : f32
        %mul3A_959 = vector.broadcast %mul3A_958 : f32 to vector<16xf32>
        %mul3A_960 = arith.mulf %get3A_957, %mul3A_959 : vector<16xf32>
        %convert_element_type3A_961 = arith.fptosi %mul3A_960 : vector<16xf32> to vector<16xi32>
        %add3A_962 = arith.constant 1 : i32
        %add3A_963 = vector.broadcast %add3A_962 : i32 to vector<16xi32>
        %add3A_964 = arith.addi %convert_element_type3A_961, %add3A_963 : vector<16xi32>
        %jit3A_965 = arith.constant 0 : i32
        %jit3A_966 = arith.constant 99 : i32
        %max3A_967 = vector.broadcast %jit3A_965 : i32 to vector<16xi32>
        %max3A_968 = arith.maxsi %max3A_967, %add3A_964 : vector<16xi32>
        %min3A_969 = vector.broadcast %jit3A_966 : i32 to vector<16xi32>
        %min3A_970 = arith.minsi %min3A_969, %max3A_968 : vector<16xi32>
        %gather3A_971 = tpu.vector_load_idx %arg8[%min3A_970] : memref<112xf32, #tpu.memory_space<vmem>>[vector<16xi32>], vector<16xf32>,
        %add3A_972 = arith.constant 1 : i32
        %add3A_973 = vector.broadcast %add3A_972 : i32 to vector<16xi32>
        %add3A_974 = arith.addi %min3A_970, %add3A_973 : vector<16xi32>
        %gather3A_975 = tpu.vector_load_idx %arg8[%add3A_974] : memref<112xf32, #tpu.memory_space<vmem>>[vector<16xi32>], vector<16xf32>,
        %ge3A_976 = arith.cmpf oge, %get3A_957, %gather3A_975 : vector<16xf32>
        %jit3A_977 = arith.constant 1 : i32
        %jit3A_978 = arith.constant 0 : i32
        %broadcast_in_dim3A_979 = vector.broadcast %jit3A_977 : i32 to vector<16xi32>
        %broadcast_in_dim3A_980 = vector.broadcast %jit3A_978 : i32 to vector<16xi32>
        %select_n3A_981 = arith.select %ge3A_976, %broadcast_in_dim3A_979, %broadcast_in_dim3A_980 : vector<16xi1>, vector<16xi32>
        %add3A_982 = arith.addi %min3A_970, %select_n3A_981 : vector<16xi32>
        %lt3A_983 = arith.cmpf olt, %get3A_957, %gather3A_971 : vector<16xf32>
        %jit3A_984 = arith.constant 1 : i32
        %jit3A_985 = arith.constant 0 : i32
        %broadcast_in_dim3A_986 = vector.broadcast %jit3A_984 : i32 to vector<16xi32>
        %broadcast_in_dim3A_987 = vector.broadcast %jit3A_985 : i32 to vector<16xi32>
        %select_n3A_988 = arith.select %lt3A_983, %broadcast_in_dim3A_986, %broadcast_in_dim3A_987 : vector<16xi1>, vector<16xi32>
        %sub3A_989 = arith.subi %add3A_982, %select_n3A_988 : vector<16xi32>
        %swap3A_990 = arith.index_cast %add3A_951 : i32 to index
        %swap3A_991 = arith.constant 0 : index
        %swap3A_992 = tpu.vector_load %arg7[%swap3A_990, %swap3A_991] {strides = array<i32>} : memref<512x16xi32, #tpu.memory_space<vmem>>, vector<16xi32>,
        tpu.vector_store %arg7[%swap3A_990, %swap3A_991], %sub3A_989 {strides = array<i32>} : memref<512x16xi32, #tpu.memory_space<vmem>>, vector<16xi32>,
        %ge3A_993 = arith.constant 12 : i32
        %ge3A_994 = arith.cmpi sge, %scan3A_914, %ge3A_993 : i32
        %convert_element_type3A_995 = arith.extui %ge3A_994 : i1 to i32
        %cond3A_996 = arith.constant 0 : i32
        %cond3A_997 = arith.cmpi ne, %convert_element_type3A_995, %cond3A_996 : i32
        scf.if %cond3A_997 {
          %dma_wait3A_1014 = arith.constant 0 : i32
          %dma_wait3A_1015 = arith.constant 0 : i32
          %dma_wait3A_1016 = arith.constant 0 : i32
          %dma_wait3A_1017 = tpu.memref_slice %arg9[%dma_wait3A_1014, %dma_wait3A_1015, %dma_wait3A_1016] : memref<24x16x128xf32, #tpu.memory_space<vmem>> -> memref<1x16x128xf32, #tpu.memory_space<vmem>>
          %dma_wait3A_1018 = tpu.memref_squeeze %dma_wait3A_1017 : memref<1x16x128xf32, #tpu.memory_space<vmem>> -> memref<16x128xf32, #tpu.memory_space<vmem>>
          %dma_wait3A_1019 = arith.constant 0 : i32
          %dma_wait3A_1020 = tpu.memref_slice %arg5[%mul3A_2, %dma_wait3A_1019] : memref<262144x128xf32, #tpu.memory_space<hbm>> -> memref<16x128xf32, #tpu.memory_space<hbm>>
          %dma_wait3A_1021 = arith.constant 0 : i32
          %dma_wait3A_1022 = tpu.memref_slice %arg5[%mul3A_2, %dma_wait3A_1021] : memref<262144x128xf32, #tpu.memory_space<hbm>> -> memref<16x128xf32, #tpu.memory_space<hbm>>
          %dma_wait3A_1023 = arith.constant 0 : i32
          %dma_wait3A_1024 = arith.constant 0 : i32
          %dma_wait3A_1025 = tpu.memref_slice %arg9[%dma_wait3A_1014, %dma_wait3A_1023, %dma_wait3A_1024] : memref<24x16x128xf32, #tpu.memory_space<vmem>> -> memref<1x16x128xf32, #tpu.memory_space<vmem>>
          %dma_wait3A_1026 = tpu.memref_squeeze %dma_wait3A_1025 : memref<1x16x128xf32, #tpu.memory_space<vmem>> -> memref<16x128xf32, #tpu.memory_space<vmem>>
          tpu.wait_dma2 semaphore(%arg12 : memref<!tpu.dma_semaphore, #tpu.memory_space<semaphore_mem>>) src(%dma_wait3A_1026 : memref<16x128xf32, #tpu.memory_space<vmem>>) dst(%dma_wait3A_1022 : memref<16x128xf32, #tpu.memory_space<hbm>>)
        } else {
        }
        %add3A_998 = arith.constant 12 : i32
        %add3A_999 = arith.addi %scan3A_914, %add3A_998 : i32
        %add3A_1000 = arith.constant 12 : i32
        %add3A_1001 = arith.addi %scan3A_914, %add3A_1000 : i32
        %rem3A_1002 = arith.constant 24 : i32
        %rem3A_1003 = arith.remsi %add3A_1001, %rem3A_1002 : i32
        %dma_start3A_1004 = arith.constant 0 : i32
        %dma_start3A_1005 = arith.constant 0 : i32
        %dma_start3A_1006 = tpu.memref_slice %arg9[%rem3A_1003, %dma_start3A_1004, %dma_start3A_1005] : memref<24x16x128xf32, #tpu.memory_space<vmem>> -> memref<1x16x128xf32, #tpu.memory_space<vmem>>
        %dma_start3A_1007 = tpu.memref_squeeze %dma_start3A_1006 : memref<1x16x128xf32, #tpu.memory_space<vmem>> -> memref<16x128xf32, #tpu.memory_space<vmem>>
        %dma_start3A_1008 = arith.constant 0 : i32
        %dma_start3A_1009 = tpu.memref_slice %arg7[%add3A_999, %dma_start3A_1008] : memref<512x16xi32, #tpu.memory_space<vmem>> -> memref<1x16xi32, #tpu.memory_space<vmem>>
        %dma_start3A_1010 = tpu.memref_squeeze %dma_start3A_1009 : memref<1x16xi32, #tpu.memory_space<vmem>> -> memref<16xi32, #tpu.memory_space<vmem>>
        %dma_start3A_1011 = arith.constant 0 : i32
        %dma_start3A_1012 = arith.constant 0 : i32
        %dma_start3A_1013 = tpu.memref_slice %arg10[%dma_start3A_1011, %dma_start3A_1012] : memref<100x128xf32, #tpu.memory_space<vmem_shared>> -> memref<100x128xf32, #tpu.memory_space<vmem_shared>>
        tpu.enqueue_indirect_dma source(%dma_start3A_1013 : memref<100x128xf32, #tpu.memory_space<vmem_shared>>) target(%dma_start3A_1007 : memref<16x128xf32, #tpu.memory_space<vmem>>) offsets(%dma_start3A_1010 : memref<16xi32, #tpu.memory_space<vmem>>) semaphore(%arg11 : memref<!tpu.dma_semaphore, #tpu.memory_space<semaphore_mem>>)
      } else {
      }
    }
    %scan3A_602 = arith.constant 512 : i32
    %dma_wait3A = arith.constant 0 : i32
    %dma_wait3A_603 = arith.constant 0 : i32
    %dma_wait3A_604 = arith.constant 0 : i32
    %dma_wait3A_605 = tpu.memref_slice %arg9[%dma_wait3A, %dma_wait3A_603, %dma_wait3A_604] : memref<24x16x128xf32, #tpu.memory_space<vmem>> -> memref<1x16x128xf32, #tpu.memory_space<vmem>>
    %dma_wait3A_606 = tpu.memref_squeeze %dma_wait3A_605 : memref<1x16x128xf32, #tpu.memory_space<vmem>> -> memref<16x128xf32, #tpu.memory_space<vmem>>
    %dma_wait3A_607 = arith.constant 0 : i32
    %dma_wait3A_608 = tpu.memref_slice %arg5[%mul3A_2, %dma_wait3A_607] : memref<262144x128xf32, #tpu.memory_space<hbm>> -> memref<16x128xf32, #tpu.memory_space<hbm>>
    %dma_wait3A_609 = arith.constant 0 : i32
    %dma_wait3A_610 = tpu.memref_slice %arg5[%mul3A_2, %dma_wait3A_609] : memref<262144x128xf32, #tpu.memory_space<hbm>> -> memref<16x128xf32, #tpu.memory_space<hbm>>
    %dma_wait3A_611 = arith.constant 0 : i32
    %dma_wait3A_612 = arith.constant 0 : i32
    %dma_wait3A_613 = tpu.memref_slice %arg9[%dma_wait3A, %dma_wait3A_611, %dma_wait3A_612] : memref<24x16x128xf32, #tpu.memory_space<vmem>> -> memref<1x16x128xf32, #tpu.memory_space<vmem>>
    %dma_wait3A_614 = tpu.memref_squeeze %dma_wait3A_613 : memref<1x16x128xf32, #tpu.memory_space<vmem>> -> memref<16x128xf32, #tpu.memory_space<vmem>>
    tpu.wait_dma2 semaphore(%arg12 : memref<!tpu.dma_semaphore, #tpu.memory_space<semaphore_mem>>) src(%dma_wait3A_614 : memref<16x128xf32, #tpu.memory_space<vmem>>) dst(%dma_wait3A_610 : memref<16x128xf32, #tpu.memory_space<hbm>>)
    %dma_wait3A_615 = arith.constant 0 : i32
    %dma_wait3A_616 = arith.constant 0 : i32
    %dma_wait3A_617 = arith.constant 0 : i32
    %dma_wait3A_618 = tpu.memref_slice %arg9[%dma_wait3A_615, %dma_wait3A_616, %dma_wait3A_617] : memref<24x16x128xf32, #tpu.memory_space<vmem>> -> memref<1x16x128xf32, #tpu.memory_space<vmem>>
    %dma_wait3A_619 = tpu.memref_squeeze %dma_wait3A_618 : memref<1x16x128xf32, #tpu.memory_space<vmem>> -> memref<16x128xf32, #tpu.memory_space<vmem>>
    %dma_wait3A_620 = arith.constant 0 : i32
    %dma_wait3A_621 = tpu.memref_slice %arg5[%mul3A_2, %dma_wait3A_620] : memref<262144x128xf32, #tpu.memory_space<hbm>> -> memref<16x128xf32, #tpu.memory_space<hbm>>
    %dma_wait3A_622 = arith.constant 0 : i32
    %dma_wait3A_623 = tpu.memref_slice %arg5[%mul3A_2, %dma_wait3A_622] : memref<262144x128xf32, #tpu.memory_space<hbm>> -> memref<16x128xf32, #tpu.memory_space<hbm>>
    %dma_wait3A_624 = arith.constant 0 : i32
    %dma_wait3A_625 = arith.constant 0 : i32
    %dma_wait3A_626 = tpu.memref_slice %arg9[%dma_wait3A_615, %dma_wait3A_624, %dma_wait3A_625] : memref<24x16x128xf32, #tpu.memory_space<vmem>> -> memref<1x16x128xf32, #tpu.memory_space<vmem>>
    %dma_wait3A_627 = tpu.memref_squeeze %dma_wait3A_626 : memref<1x16x128xf32, #tpu.memory_space<vmem>> -> memref<16x128xf32, #tpu.memory_space<vmem>>
    tpu.wait_dma2 semaphore(%arg12 : memref<!tpu.dma_semaphore, #tpu.memory_space<semaphore_mem>>) src(%dma_wait3A_627 : memref<16x128xf32, #tpu.memory_space<vmem>>) dst(%dma_wait3A_623 : memref<16x128xf32, #tpu.memory_space<hbm>>)
    %dma_wait3A_628 = arith.constant 0 : i32
    %dma_wait3A_629 = arith.constant 0 : i32
    %dma_wait3A_630 = arith.constant 0 : i32
    %dma_wait3A_631 = tpu.memref_slice %arg9[%dma_wait3A_628, %dma_wait3A_629, %dma_wait3A_630] : memref<24x16x128xf32, #tpu.memory_space<vmem>> -> memref<1x16x128xf32, #tpu.memory_space<vmem>>
    %dma_wait3A_632 = tpu.memref_squeeze %dma_wait3A_631 : memref<1x16x128xf32, #tpu.memory_space<vmem>> -> memref<16x128xf32, #tpu.memory_space<vmem>>
    %dma_wait3A_633 = arith.constant 0 : i32
    %dma_wait3A_634 = tpu.memref_slice %arg5[%mul3A_2, %dma_wait3A_633] : memref<262144x128xf32, #tpu.memory_space<hbm>> -> memref<16x128xf32, #tpu.memory_space<hbm>>
    %dma_wait3A_635 = arith.constant 0 : i32
    %dma_wait3A_636 = tpu.memref_slice %arg5[%mul3A_2, %dma_wait3A_635] : memref<262144x128xf32, #tpu.memory_space<hbm>> -> memref<16x128xf32, #tpu.memory_space<hbm>>
    %dma_wait3A_637 = arith.constant 0 : i32
    %dma_wait3A_638 = arith.constant 0 : i32
    %dma_wait3A_639 = tpu.memref_slice %arg9[%dma_wait3A_628, %dma_wait3A_637, %dma_wait3A_638] : memref<24x16x128xf32, #tpu.memory_space<vmem>> -> memref<1x16x128xf32, #tpu.memory_space<vmem>>
    %dma_wait3A_640 = tpu.memref_squeeze %dma_wait3A_639 : memref<1x16x128xf32, #tpu.memory_space<vmem>> -> memref<16x128xf32, #tpu.memory_space<vmem>>
    tpu.wait_dma2 semaphore(%arg12 : memref<!tpu.dma_semaphore, #tpu.memory_space<semaphore_mem>>) src(%dma_wait3A_640 : memref<16x128xf32, #tpu.memory_space<vmem>>) dst(%dma_wait3A_636 : memref<16x128xf32, #tpu.memory_space<hbm>>)
    %dma_wait3A_641 = arith.constant 0 : i32
    %dma_wait3A_642 = arith.constant 0 : i32
    %dma_wait3A_643 = arith.constant 0 : i32
    %dma_wait3A_644 = tpu.memref_slice %arg9[%dma_wait3A_641, %dma_wait3A_642, %dma_wait3A_643] : memref<24x16x128xf32, #tpu.memory_space<vmem>> -> memref<1x16x128xf32, #tpu.memory_space<vmem>>
    %dma_wait3A_645 = tpu.memref_squeeze %dma_wait3A_644 : memref<1x16x128xf32, #tpu.memory_space<vmem>> -> memref<16x128xf32, #tpu.memory_space<vmem>>
    %dma_wait3A_646 = arith.constant 0 : i32
    %dma_wait3A_647 = tpu.memref_slice %arg5[%mul3A_2, %dma_wait3A_646] : memref<262144x128xf32, #tpu.memory_space<hbm>> -> memref<16x128xf32, #tpu.memory_space<hbm>>
    %dma_wait3A_648 = arith.constant 0 : i32
    %dma_wait3A_649 = tpu.memref_slice %arg5[%mul3A_2, %dma_wait3A_648] : memref<262144x128xf32, #tpu.memory_space<hbm>> -> memref<16x128xf32, #tpu.memory_space<hbm>>
    %dma_wait3A_650 = arith.constant 0 : i32
    %dma_wait3A_651 = arith.constant 0 : i32
    %dma_wait3A_652 = tpu.memref_slice %arg9[%dma_wait3A_641, %dma_wait3A_650, %dma_wait3A_651] : memref<24x16x128xf32, #tpu.memory_space<vmem>> -> memref<1x16x128xf32, #tpu.memory_space<vmem>>
    %dma_wait3A_653 = tpu.memref_squeeze %dma_wait3A_652 : memref<1x16x128xf32, #tpu.memory_space<vmem>> -> memref<16x128xf32, #tpu.memory_space<vmem>>
    tpu.wait_dma2 semaphore(%arg12 : memref<!tpu.dma_semaphore, #tpu.memory_space<semaphore_mem>>) src(%dma_wait3A_653 : memref<16x128xf32, #tpu.memory_space<vmem>>) dst(%dma_wait3A_649 : memref<16x128xf32, #tpu.memory_space<hbm>>)
    %dma_wait3A_654 = arith.constant 0 : i32
    %dma_wait3A_655 = arith.constant 0 : i32
    %dma_wait3A_656 = arith.constant 0 : i32
    %dma_wait3A_657 = tpu.memref_slice %arg9[%dma_wait3A_654, %dma_wait3A_655, %dma_wait3A_656] : memref<24x16x128xf32, #tpu.memory_space<vmem>> -> memref<1x16x128xf32, #tpu.memory_space<vmem>>
    %dma_wait3A_658 = tpu.memref_squeeze %dma_wait3A_657 : memref<1x16x128xf32, #tpu.memory_space<vmem>> -> memref<16x128xf32, #tpu.memory_space<vmem>>
    %dma_wait3A_659 = arith.constant 0 : i32
    %dma_wait3A_660 = tpu.memref_slice %arg5[%mul3A_2, %dma_wait3A_659] : memref<262144x128xf32, #tpu.memory_space<hbm>> -> memref<16x128xf32, #tpu.memory_space<hbm>>
    %dma_wait3A_661 = arith.constant 0 : i32
    %dma_wait3A_662 = tpu.memref_slice %arg5[%mul3A_2, %dma_wait3A_661] : memref<262144x128xf32, #tpu.memory_space<hbm>> -> memref<16x128xf32, #tpu.memory_space<hbm>>
    %dma_wait3A_663 = arith.constant 0 : i32
    %dma_wait3A_664 = arith.constant 0 : i32
    %dma_wait3A_665 = tpu.memref_slice %arg9[%dma_wait3A_654, %dma_wait3A_663, %dma_wait3A_664] : memref<24x16x128xf32, #tpu.memory_space<vmem>> -> memref<1x16x128xf32, #tpu.memory_space<vmem>>
    %dma_wait3A_666 = tpu.memref_squeeze %dma_wait3A_665 : memref<1x16x128xf32, #tpu.memory_space<vmem>> -> memref<16x128xf32, #tpu.memory_space<vmem>>
    tpu.wait_dma2 semaphore(%arg12 : memref<!tpu.dma_semaphore, #tpu.memory_space<semaphore_mem>>) src(%dma_wait3A_666 : memref<16x128xf32, #tpu.memory_space<vmem>>) dst(%dma_wait3A_662 : memref<16x128xf32, #tpu.memory_space<hbm>>)
    %dma_wait3A_667 = arith.constant 0 : i32
    %dma_wait3A_668 = arith.constant 0 : i32
    %dma_wait3A_669 = arith.constant 0 : i32
    %dma_wait3A_670 = tpu.memref_slice %arg9[%dma_wait3A_667, %dma_wait3A_668, %dma_wait3A_669] : memref<24x16x128xf32, #tpu.memory_space<vmem>> -> memref<1x16x128xf32, #tpu.memory_space<vmem>>
    %dma_wait3A_671 = tpu.memref_squeeze %dma_wait3A_670 : memref<1x16x128xf32, #tpu.memory_space<vmem>> -> memref<16x128xf32, #tpu.memory_space<vmem>>
    %dma_wait3A_672 = arith.constant 0 : i32
    %dma_wait3A_673 = tpu.memref_slice %arg5[%mul3A_2, %dma_wait3A_672] : memref<262144x128xf32, #tpu.memory_space<hbm>> -> memref<16x128xf32, #tpu.memory_space<hbm>>
    %dma_wait3A_674 = arith.constant 0 : i32
    %dma_wait3A_675 = tpu.memref_slice %arg5[%mul3A_2, %dma_wait3A_674] : memref<262144x128xf32, #tpu.memory_space<hbm>> -> memref<16x128xf32, #tpu.memory_space<hbm>>
    %dma_wait3A_676 = arith.constant 0 : i32
    %dma_wait3A_677 = arith.constant 0 : i32
    %dma_wait3A_678 = tpu.memref_slice %arg9[%dma_wait3A_667, %dma_wait3A_676, %dma_wait3A_677] : memref<24x16x128xf32, #tpu.memory_space<vmem>> -> memref<1x16x128xf32, #tpu.memory_space<vmem>>
    %dma_wait3A_679 = tpu.memref_squeeze %dma_wait3A_678 : memref<1x16x128xf32, #tpu.memory_space<vmem>> -> memref<16x128xf32, #tpu.memory_space<vmem>>
    tpu.wait_dma2 semaphore(%arg12 : memref<!tpu.dma_semaphore, #tpu.memory_space<semaphore_mem>>) src(%dma_wait3A_679 : memref<16x128xf32, #tpu.memory_space<vmem>>) dst(%dma_wait3A_675 : memref<16x128xf32, #tpu.memory_space<hbm>>)
    %dma_wait3A_680 = arith.constant 0 : i32
    %dma_wait3A_681 = arith.constant 0 : i32
    %dma_wait3A_682 = arith.constant 0 : i32
    %dma_wait3A_683 = tpu.memref_slice %arg9[%dma_wait3A_680, %dma_wait3A_681, %dma_wait3A_682] : memref<24x16x128xf32, #tpu.memory_space<vmem>> -> memref<1x16x128xf32, #tpu.memory_space<vmem>>
    %dma_wait3A_684 = tpu.memref_squeeze %dma_wait3A_683 : memref<1x16x128xf32, #tpu.memory_space<vmem>> -> memref<16x128xf32, #tpu.memory_space<vmem>>
    %dma_wait3A_685 = arith.constant 0 : i32
    %dma_wait3A_686 = tpu.memref_slice %arg5[%mul3A_2, %dma_wait3A_685] : memref<262144x128xf32, #tpu.memory_space<hbm>> -> memref<16x128xf32, #tpu.memory_space<hbm>>
    %dma_wait3A_687 = arith.constant 0 : i32
    %dma_wait3A_688 = tpu.memref_slice %arg5[%mul3A_2, %dma_wait3A_687] : memref<262144x128xf32, #tpu.memory_space<hbm>> -> memref<16x128xf32, #tpu.memory_space<hbm>>
    %dma_wait3A_689 = arith.constant 0 : i32
    %dma_wait3A_690 = arith.constant 0 : i32
    %dma_wait3A_691 = tpu.memref_slice %arg9[%dma_wait3A_680, %dma_wait3A_689, %dma_wait3A_690] : memref<24x16x128xf32, #tpu.memory_space<vmem>> -> memref<1x16x128xf32, #tpu.memory_space<vmem>>
    %dma_wait3A_692 = tpu.memref_squeeze %dma_wait3A_691 : memref<1x16x128xf32, #tpu.memory_space<vmem>> -> memref<16x128xf32, #tpu.memory_space<vmem>>
    tpu.wait_dma2 semaphore(%arg12 : memref<!tpu.dma_semaphore, #tpu.memory_space<semaphore_mem>>) src(%dma_wait3A_692 : memref<16x128xf32, #tpu.memory_space<vmem>>) dst(%dma_wait3A_688 : memref<16x128xf32, #tpu.memory_space<hbm>>)
    %dma_wait3A_693 = arith.constant 0 : i32
    %dma_wait3A_694 = arith.constant 0 : i32
    %dma_wait3A_695 = arith.constant 0 : i32
    %dma_wait3A_696 = tpu.memref_slice %arg9[%dma_wait3A_693, %dma_wait3A_694, %dma_wait3A_695] : memref<24x16x128xf32, #tpu.memory_space<vmem>> -> memref<1x16x128xf32, #tpu.memory_space<vmem>>
    %dma_wait3A_697 = tpu.memref_squeeze %dma_wait3A_696 : memref<1x16x128xf32, #tpu.memory_space<vmem>> -> memref<16x128xf32, #tpu.memory_space<vmem>>
    %dma_wait3A_698 = arith.constant 0 : i32
    %dma_wait3A_699 = tpu.memref_slice %arg5[%mul3A_2, %dma_wait3A_698] : memref<262144x128xf32, #tpu.memory_space<hbm>> -> memref<16x128xf32, #tpu.memory_space<hbm>>
    %dma_wait3A_700 = arith.constant 0 : i32
    %dma_wait3A_701 = tpu.memref_slice %arg5[%mul3A_2, %dma_wait3A_700] : memref<262144x128xf32, #tpu.memory_space<hbm>> -> memref<16x128xf32, #tpu.memory_space<hbm>>
    %dma_wait3A_702 = arith.constant 0 : i32
    %dma_wait3A_703 = arith.constant 0 : i32
    %dma_wait3A_704 = tpu.memref_slice %arg9[%dma_wait3A_693, %dma_wait3A_702, %dma_wait3A_703] : memref<24x16x128xf32, #tpu.memory_space<vmem>> -> memref<1x16x128xf32, #tpu.memory_space<vmem>>
    %dma_wait3A_705 = tpu.memref_squeeze %dma_wait3A_704 : memref<1x16x128xf32, #tpu.memory_space<vmem>> -> memref<16x128xf32, #tpu.memory_space<vmem>>
    tpu.wait_dma2 semaphore(%arg12 : memref<!tpu.dma_semaphore, #tpu.memory_space<semaphore_mem>>) src(%dma_wait3A_705 : memref<16x128xf32, #tpu.memory_space<vmem>>) dst(%dma_wait3A_701 : memref<16x128xf32, #tpu.memory_space<hbm>>)
    %dma_wait3A_706 = arith.constant 0 : i32
    %dma_wait3A_707 = arith.constant 0 : i32
    %dma_wait3A_708 = arith.constant 0 : i32
    %dma_wait3A_709 = tpu.memref_slice %arg9[%dma_wait3A_706, %dma_wait3A_707, %dma_wait3A_708] : memref<24x16x128xf32, #tpu.memory_space<vmem>> -> memref<1x16x128xf32, #tpu.memory_space<vmem>>
    %dma_wait3A_710 = tpu.memref_squeeze %dma_wait3A_709 : memref<1x16x128xf32, #tpu.memory_space<vmem>> -> memref<16x128xf32, #tpu.memory_space<vmem>>
    %dma_wait3A_711 = arith.constant 0 : i32
    %dma_wait3A_712 = tpu.memref_slice %arg5[%mul3A_2, %dma_wait3A_711] : memref<262144x128xf32, #tpu.memory_space<hbm>> -> memref<16x128xf32, #tpu.memory_space<hbm>>
    %dma_wait3A_713 = arith.constant 0 : i32
    %dma_wait3A_714 = tpu.memref_slice %arg5[%mul3A_2, %dma_wait3A_713] : memref<262144x128xf32, #tpu.memory_space<hbm>> -> memref<16x128xf32, #tpu.memory_space<hbm>>
    %dma_wait3A_715 = arith.constant 0 : i32
    %dma_wait3A_716 = arith.constant 0 : i32
    %dma_wait3A_717 = tpu.memref_slice %arg9[%dma_wait3A_706, %dma_wait3A_715, %dma_wait3A_716] : memref<24x16x128xf32, #tpu.memory_space<vmem>> -> memref<1x16x128xf32, #tpu.memory_space<vmem>>
    %dma_wait3A_718 = tpu.memref_squeeze %dma_wait3A_717 : memref<1x16x128xf32, #tpu.memory_space<vmem>> -> memref<16x128xf32, #tpu.memory_space<vmem>>
    tpu.wait_dma2 semaphore(%arg12 : memref<!tpu.dma_semaphore, #tpu.memory_space<semaphore_mem>>) src(%dma_wait3A_718 : memref<16x128xf32, #tpu.memory_space<vmem>>) dst(%dma_wait3A_714 : memref<16x128xf32, #tpu.memory_space<hbm>>)
    %dma_wait3A_719 = arith.constant 0 : i32
    %dma_wait3A_720 = arith.constant 0 : i32
    %dma_wait3A_721 = arith.constant 0 : i32
    %dma_wait3A_722 = tpu.memref_slice %arg9[%dma_wait3A_719, %dma_wait3A_720, %dma_wait3A_721] : memref<24x16x128xf32, #tpu.memory_space<vmem>> -> memref<1x16x128xf32, #tpu.memory_space<vmem>>
    %dma_wait3A_723 = tpu.memref_squeeze %dma_wait3A_722 : memref<1x16x128xf32, #tpu.memory_space<vmem>> -> memref<16x128xf32, #tpu.memory_space<vmem>>
    %dma_wait3A_724 = arith.constant 0 : i32
    %dma_wait3A_725 = tpu.memref_slice %arg5[%mul3A_2, %dma_wait3A_724] : memref<262144x128xf32, #tpu.memory_space<hbm>> -> memref<16x128xf32, #tpu.memory_space<hbm>>
    %dma_wait3A_726 = arith.constant 0 : i32
    %dma_wait3A_727 = tpu.memref_slice %arg5[%mul3A_2, %dma_wait3A_726] : memref<262144x128xf32, #tpu.memory_space<hbm>> -> memref<16x128xf32, #tpu.memory_space<hbm>>
    %dma_wait3A_728 = arith.constant 0 : i32
    %dma_wait3A_729 = arith.constant 0 : i32
    %dma_wait3A_730 = tpu.memref_slice %arg9[%dma_wait3A_719, %dma_wait3A_728, %dma_wait3A_729] : memref<24x16x128xf32, #tpu.memory_space<vmem>> -> memref<1x16x128xf32, #tpu.memory_space<vmem>>
    %dma_wait3A_731 = tpu.memref_squeeze %dma_wait3A_730 : memref<1x16x128xf32, #tpu.memory_space<vmem>> -> memref<16x128xf32, #tpu.memory_space<vmem>>
    tpu.wait_dma2 semaphore(%arg12 : memref<!tpu.dma_semaphore, #tpu.memory_space<semaphore_mem>>) src(%dma_wait3A_731 : memref<16x128xf32, #tpu.memory_space<vmem>>) dst(%dma_wait3A_727 : memref<16x128xf32, #tpu.memory_space<hbm>>)
    %dma_wait3A_732 = arith.constant 0 : i32
    %dma_wait3A_733 = arith.constant 0 : i32
    %dma_wait3A_734 = arith.constant 0 : i32
    %dma_wait3A_735 = tpu.memref_slice %arg9[%dma_wait3A_732, %dma_wait3A_733, %dma_wait3A_734] : memref<24x16x128xf32, #tpu.memory_space<vmem>> -> memref<1x16x128xf32, #tpu.memory_space<vmem>>
    %dma_wait3A_736 = tpu.memref_squeeze %dma_wait3A_735 : memref<1x16x128xf32, #tpu.memory_space<vmem>> -> memref<16x128xf32, #tpu.memory_space<vmem>>
    %dma_wait3A_737 = arith.constant 0 : i32
    %dma_wait3A_738 = tpu.memref_slice %arg5[%mul3A_2, %dma_wait3A_737] : memref<262144x128xf32, #tpu.memory_space<hbm>> -> memref<16x128xf32, #tpu.memory_space<hbm>>
    %dma_wait3A_739 = arith.constant 0 : i32
    %dma_wait3A_740 = tpu.memref_slice %arg5[%mul3A_2, %dma_wait3A_739] : memref<262144x128xf32, #tpu.memory_space<hbm>> -> memref<16x128xf32, #tpu.memory_space<hbm>>
    %dma_wait3A_741 = arith.constant 0 : i32
    %dma_wait3A_742 = arith.constant 0 : i32
    %dma_wait3A_743 = tpu.memref_slice %arg9[%dma_wait3A_732, %dma_wait3A_741, %dma_wait3A_742] : memref<24x16x128xf32, #tpu.memory_space<vmem>> -> memref<1x16x128xf32, #tpu.memory_space<vmem>>
    %dma_wait3A_744 = tpu.memref_squeeze %dma_wait3A_743 : memref<1x16x128xf32, #tpu.memory_space<vmem>> -> memref<16x128xf32, #tpu.memory_space<vmem>>
    tpu.wait_dma2 semaphore(%arg12 : memref<!tpu.dma_semaphore, #tpu.memory_space<semaphore_mem>>) src(%dma_wait3A_744 : memref<16x128xf32, #tpu.memory_space<vmem>>) dst(%dma_wait3A_740 : memref<16x128xf32, #tpu.memory_space<hbm>>)
    %dma_wait3A_745 = arith.constant 0 : i32
    %dma_wait3A_746 = arith.constant 0 : i32
    %dma_wait3A_747 = arith.constant 0 : i32
    %dma_wait3A_748 = tpu.memref_slice %arg9[%dma_wait3A_745, %dma_wait3A_746, %dma_wait3A_747] : memref<24x16x128xf32, #tpu.memory_space<vmem>> -> memref<1x16x128xf32, #tpu.memory_space<vmem>>
    %dma_wait3A_749 = tpu.memref_squeeze %dma_wait3A_748 : memref<1x16x128xf32, #tpu.memory_space<vmem>> -> memref<16x128xf32, #tpu.memory_space<vmem>>
    %dma_wait3A_750 = arith.constant 0 : i32
    %dma_wait3A_751 = tpu.memref_slice %arg5[%mul3A_2, %dma_wait3A_750] : memref<262144x128xf32, #tpu.memory_space<hbm>> -> memref<16x128xf32, #tpu.memory_space<hbm>>
    %dma_wait3A_752 = arith.constant 0 : i32
    %dma_wait3A_753 = tpu.memref_slice %arg5[%mul3A_2, %dma_wait3A_752] : memref<262144x128xf32, #tpu.memory_space<hbm>> -> memref<16x128xf32, #tpu.memory_space<hbm>>
    %dma_wait3A_754 = arith.constant 0 : i32
    %dma_wait3A_755 = arith.constant 0 : i32
    %dma_wait3A_756 = tpu.memref_slice %arg9[%dma_wait3A_745, %dma_wait3A_754, %dma_wait3A_755] : memref<24x16x128xf32, #tpu.memory_space<vmem>> -> memref<1x16x128xf32, #tpu.memory_space<vmem>>
    %dma_wait3A_757 = tpu.memref_squeeze %dma_wait3A_756 : memref<1x16x128xf32, #tpu.memory_space<vmem>> -> memref<16x128xf32, #tpu.memory_space<vmem>>
    tpu.wait_dma2 semaphore(%arg12 : memref<!tpu.dma_semaphore, #tpu.memory_space<semaphore_mem>>) src(%dma_wait3A_757 : memref<16x128xf32, #tpu.memory_space<vmem>>) dst(%dma_wait3A_753 : memref<16x128xf32, #tpu.memory_space<hbm>>)
    %dma_wait3A_758 = arith.constant 0 : i32
    %dma_wait3A_759 = arith.constant 0 : i32
    %dma_wait3A_760 = arith.constant 0 : i32
    %dma_wait3A_761 = tpu.memref_slice %arg9[%dma_wait3A_758, %dma_wait3A_759, %dma_wait3A_760] : memref<24x16x128xf32, #tpu.memory_space<vmem>> -> memref<1x16x128xf32, #tpu.memory_space<vmem>>
    %dma_wait3A_762 = tpu.memref_squeeze %dma_wait3A_761 : memref<1x16x128xf32, #tpu.memory_space<vmem>> -> memref<16x128xf32, #tpu.memory_space<vmem>>
    %dma_wait3A_763 = arith.constant 0 : i32
    %dma_wait3A_764 = tpu.memref_slice %arg5[%mul3A_2, %dma_wait3A_763] : memref<262144x128xf32, #tpu.memory_space<hbm>> -> memref<16x128xf32, #tpu.memory_space<hbm>>
    %dma_wait3A_765 = arith.constant 0 : i32
    %dma_wait3A_766 = tpu.memref_slice %arg5[%mul3A_2, %dma_wait3A_765] : memref<262144x128xf32, #tpu.memory_space<hbm>> -> memref<16x128xf32, #tpu.memory_space<hbm>>
    %dma_wait3A_767 = arith.constant 0 : i32
    %dma_wait3A_768 = arith.constant 0 : i32
    %dma_wait3A_769 = tpu.memref_slice %arg9[%dma_wait3A_758, %dma_wait3A_767, %dma_wait3A_768] : memref<24x16x128xf32, #tpu.memory_space<vmem>> -> memref<1x16x128xf32, #tpu.memory_space<vmem>>
    %dma_wait3A_770 = tpu.memref_squeeze %dma_wait3A_769 : memref<1x16x128xf32, #tpu.memory_space<vmem>> -> memref<16x128xf32, #tpu.memory_space<vmem>>
    tpu.wait_dma2 semaphore(%arg12 : memref<!tpu.dma_semaphore, #tpu.memory_space<semaphore_mem>>) src(%dma_wait3A_770 : memref<16x128xf32, #tpu.memory_space<vmem>>) dst(%dma_wait3A_766 : memref<16x128xf32, #tpu.memory_space<hbm>>)
    %dma_wait3A_771 = arith.constant 0 : i32
    %dma_wait3A_772 = arith.constant 0 : i32
    %dma_wait3A_773 = arith.constant 0 : i32
    %dma_wait3A_774 = tpu.memref_slice %arg9[%dma_wait3A_771, %dma_wait3A_772, %dma_wait3A_773] : memref<24x16x128xf32, #tpu.memory_space<vmem>> -> memref<1x16x128xf32, #tpu.memory_space<vmem>>
    %dma_wait3A_775 = tpu.memref_squeeze %dma_wait3A_774 : memref<1x16x128xf32, #tpu.memory_space<vmem>> -> memref<16x128xf32, #tpu.memory_space<vmem>>
    %dma_wait3A_776 = arith.constant 0 : i32
    %dma_wait3A_777 = tpu.memref_slice %arg5[%mul3A_2, %dma_wait3A_776] : memref<262144x128xf32, #tpu.memory_space<hbm>> -> memref<16x128xf32, #tpu.memory_space<hbm>>
    %dma_wait3A_778 = arith.constant 0 : i32
    %dma_wait3A_779 = tpu.memref_slice %arg5[%mul3A_2, %dma_wait3A_778] : memref<262144x128xf32, #tpu.memory_space<hbm>> -> memref<16x128xf32, #tpu.memory_space<hbm>>
    %dma_wait3A_780 = arith.constant 0 : i32
    %dma_wait3A_781 = arith.constant 0 : i32
    %dma_wait3A_782 = tpu.memref_slice %arg9[%dma_wait3A_771, %dma_wait3A_780, %dma_wait3A_781] : memref<24x16x128xf32, #tpu.memory_space<vmem>> -> memref<1x16x128xf32, #tpu.memory_space<vmem>>
    %dma_wait3A_783 = tpu.memref_squeeze %dma_wait3A_782 : memref<1x16x128xf32, #tpu.memory_space<vmem>> -> memref<16x128xf32, #tpu.memory_space<vmem>>
    tpu.wait_dma2 semaphore(%arg12 : memref<!tpu.dma_semaphore, #tpu.memory_space<semaphore_mem>>) src(%dma_wait3A_783 : memref<16x128xf32, #tpu.memory_space<vmem>>) dst(%dma_wait3A_779 : memref<16x128xf32, #tpu.memory_space<hbm>>)
    %dma_wait3A_784 = arith.constant 0 : i32
    %dma_wait3A_785 = arith.constant 0 : i32
    %dma_wait3A_786 = arith.constant 0 : i32
    %dma_wait3A_787 = tpu.memref_slice %arg9[%dma_wait3A_784, %dma_wait3A_785, %dma_wait3A_786] : memref<24x16x128xf32, #tpu.memory_space<vmem>> -> memref<1x16x128xf32, #tpu.memory_space<vmem>>
    %dma_wait3A_788 = tpu.memref_squeeze %dma_wait3A_787 : memref<1x16x128xf32, #tpu.memory_space<vmem>> -> memref<16x128xf32, #tpu.memory_space<vmem>>
    %dma_wait3A_789 = arith.constant 0 : i32
    %dma_wait3A_790 = tpu.memref_slice %arg5[%mul3A_2, %dma_wait3A_789] : memref<262144x128xf32, #tpu.memory_space<hbm>> -> memref<16x128xf32, #tpu.memory_space<hbm>>
    %dma_wait3A_791 = arith.constant 0 : i32
    %dma_wait3A_792 = tpu.memref_slice %arg5[%mul3A_2, %dma_wait3A_791] : memref<262144x128xf32, #tpu.memory_space<hbm>> -> memref<16x128xf32, #tpu.memory_space<hbm>>
    %dma_wait3A_793 = arith.constant 0 : i32
    %dma_wait3A_794 = arith.constant 0 : i32
    %dma_wait3A_795 = tpu.memref_slice %arg9[%dma_wait3A_784, %dma_wait3A_793, %dma_wait3A_794] : memref<24x16x128xf32, #tpu.memory_space<vmem>> -> memref<1x16x128xf32, #tpu.memory_space<vmem>>
    %dma_wait3A_796 = tpu.memref_squeeze %dma_wait3A_795 : memref<1x16x128xf32, #tpu.memory_space<vmem>> -> memref<16x128xf32, #tpu.memory_space<vmem>>
    tpu.wait_dma2 semaphore(%arg12 : memref<!tpu.dma_semaphore, #tpu.memory_space<semaphore_mem>>) src(%dma_wait3A_796 : memref<16x128xf32, #tpu.memory_space<vmem>>) dst(%dma_wait3A_792 : memref<16x128xf32, #tpu.memory_space<hbm>>)
    %dma_wait3A_797 = arith.constant 0 : i32
    %dma_wait3A_798 = arith.constant 0 : i32
    %dma_wait3A_799 = arith.constant 0 : i32
    %dma_wait3A_800 = tpu.memref_slice %arg9[%dma_wait3A_797, %dma_wait3A_798, %dma_wait3A_799] : memref<24x16x128xf32, #tpu.memory_space<vmem>> -> memref<1x16x128xf32, #tpu.memory_space<vmem>>
    %dma_wait3A_801 = tpu.memref_squeeze %dma_wait3A_800 : memref<1x16x128xf32, #tpu.memory_space<vmem>> -> memref<16x128xf32, #tpu.memory_space<vmem>>
    %dma_wait3A_802 = arith.constant 0 : i32
    %dma_wait3A_803 = tpu.memref_slice %arg5[%mul3A_2, %dma_wait3A_802] : memref<262144x128xf32, #tpu.memory_space<hbm>> -> memref<16x128xf32, #tpu.memory_space<hbm>>
    %dma_wait3A_804 = arith.constant 0 : i32
    %dma_wait3A_805 = tpu.memref_slice %arg5[%mul3A_2, %dma_wait3A_804] : memref<262144x128xf32, #tpu.memory_space<hbm>> -> memref<16x128xf32, #tpu.memory_space<hbm>>
    %dma_wait3A_806 = arith.constant 0 : i32
    %dma_wait3A_807 = arith.constant 0 : i32
    %dma_wait3A_808 = tpu.memref_slice %arg9[%dma_wait3A_797, %dma_wait3A_806, %dma_wait3A_807] : memref<24x16x128xf32, #tpu.memory_space<vmem>> -> memref<1x16x128xf32, #tpu.memory_space<vmem>>
    %dma_wait3A_809 = tpu.memref_squeeze %dma_wait3A_808 : memref<1x16x128xf32, #tpu.memory_space<vmem>> -> memref<16x128xf32, #tpu.memory_space<vmem>>
    tpu.wait_dma2 semaphore(%arg12 : memref<!tpu.dma_semaphore, #tpu.memory_space<semaphore_mem>>) src(%dma_wait3A_809 : memref<16x128xf32, #tpu.memory_space<vmem>>) dst(%dma_wait3A_805 : memref<16x128xf32, #tpu.memory_space<hbm>>)
    %dma_wait3A_810 = arith.constant 0 : i32
    %dma_wait3A_811 = arith.constant 0 : i32
    %dma_wait3A_812 = arith.constant 0 : i32
    %dma_wait3A_813 = tpu.memref_slice %arg9[%dma_wait3A_810, %dma_wait3A_811, %dma_wait3A_812] : memref<24x16x128xf32, #tpu.memory_space<vmem>> -> memref<1x16x128xf32, #tpu.memory_space<vmem>>
    %dma_wait3A_814 = tpu.memref_squeeze %dma_wait3A_813 : memref<1x16x128xf32, #tpu.memory_space<vmem>> -> memref<16x128xf32, #tpu.memory_space<vmem>>
    %dma_wait3A_815 = arith.constant 0 : i32
    %dma_wait3A_816 = tpu.memref_slice %arg5[%mul3A_2, %dma_wait3A_815] : memref<262144x128xf32, #tpu.memory_space<hbm>> -> memref<16x128xf32, #tpu.memory_space<hbm>>
    %dma_wait3A_817 = arith.constant 0 : i32
    %dma_wait3A_818 = tpu.memref_slice %arg5[%mul3A_2, %dma_wait3A_817] : memref<262144x128xf32, #tpu.memory_space<hbm>> -> memref<16x128xf32, #tpu.memory_space<hbm>>
    %dma_wait3A_819 = arith.constant 0 : i32
    %dma_wait3A_820 = arith.constant 0 : i32
    %dma_wait3A_821 = tpu.memref_slice %arg9[%dma_wait3A_810, %dma_wait3A_819, %dma_wait3A_820] : memref<24x16x128xf32, #tpu.memory_space<vmem>> -> memref<1x16x128xf32, #tpu.memory_space<vmem>>
    %dma_wait3A_822 = tpu.memref_squeeze %dma_wait3A_821 : memref<1x16x128xf32, #tpu.memory_space<vmem>> -> memref<16x128xf32, #tpu.memory_space<vmem>>
    tpu.wait_dma2 semaphore(%arg12 : memref<!tpu.dma_semaphore, #tpu.memory_space<semaphore_mem>>) src(%dma_wait3A_822 : memref<16x128xf32, #tpu.memory_space<vmem>>) dst(%dma_wait3A_818 : memref<16x128xf32, #tpu.memory_space<hbm>>)
    %dma_wait3A_823 = arith.constant 0 : i32
    %dma_wait3A_824 = arith.constant 0 : i32
    %dma_wait3A_825 = arith.constant 0 : i32
    %dma_wait3A_826 = tpu.memref_slice %arg9[%dma_wait3A_823, %dma_wait3A_824, %dma_wait3A_825] : memref<24x16x128xf32, #tpu.memory_space<vmem>> -> memref<1x16x128xf32, #tpu.memory_space<vmem>>
    %dma_wait3A_827 = tpu.memref_squeeze %dma_wait3A_826 : memref<1x16x128xf32, #tpu.memory_space<vmem>> -> memref<16x128xf32, #tpu.memory_space<vmem>>
    %dma_wait3A_828 = arith.constant 0 : i32
    %dma_wait3A_829 = tpu.memref_slice %arg5[%mul3A_2, %dma_wait3A_828] : memref<262144x128xf32, #tpu.memory_space<hbm>> -> memref<16x128xf32, #tpu.memory_space<hbm>>
    %dma_wait3A_830 = arith.constant 0 : i32
    %dma_wait3A_831 = tpu.memref_slice %arg5[%mul3A_2, %dma_wait3A_830] : memref<262144x128xf32, #tpu.memory_space<hbm>> -> memref<16x128xf32, #tpu.memory_space<hbm>>
    %dma_wait3A_832 = arith.constant 0 : i32
    %dma_wait3A_833 = arith.constant 0 : i32
    %dma_wait3A_834 = tpu.memref_slice %arg9[%dma_wait3A_823, %dma_wait3A_832, %dma_wait3A_833] : memref<24x16x128xf32, #tpu.memory_space<vmem>> -> memref<1x16x128xf32, #tpu.memory_space<vmem>>
    %dma_wait3A_835 = tpu.memref_squeeze %dma_wait3A_834 : memref<1x16x128xf32, #tpu.memory_space<vmem>> -> memref<16x128xf32, #tpu.memory_space<vmem>>
    tpu.wait_dma2 semaphore(%arg12 : memref<!tpu.dma_semaphore, #tpu.memory_space<semaphore_mem>>) src(%dma_wait3A_835 : memref<16x128xf32, #tpu.memory_space<vmem>>) dst(%dma_wait3A_831 : memref<16x128xf32, #tpu.memory_space<hbm>>)
    %dma_wait3A_836 = arith.constant 0 : i32
    %dma_wait3A_837 = arith.constant 0 : i32
    %dma_wait3A_838 = arith.constant 0 : i32
    %dma_wait3A_839 = tpu.memref_slice %arg9[%dma_wait3A_836, %dma_wait3A_837, %dma_wait3A_838] : memref<24x16x128xf32, #tpu.memory_space<vmem>> -> memref<1x16x128xf32, #tpu.memory_space<vmem>>
    %dma_wait3A_840 = tpu.memref_squeeze %dma_wait3A_839 : memref<1x16x128xf32, #tpu.memory_space<vmem>> -> memref<16x128xf32, #tpu.memory_space<vmem>>
    %dma_wait3A_841 = arith.constant 0 : i32
    %dma_wait3A_842 = tpu.memref_slice %arg5[%mul3A_2, %dma_wait3A_841] : memref<262144x128xf32, #tpu.memory_space<hbm>> -> memref<16x128xf32, #tpu.memory_space<hbm>>
    %dma_wait3A_843 = arith.constant 0 : i32
    %dma_wait3A_844 = tpu.memref_slice %arg5[%mul3A_2, %dma_wait3A_843] : memref<262144x128xf32, #tpu.memory_space<hbm>> -> memref<16x128xf32, #tpu.memory_space<hbm>>
    %dma_wait3A_845 = arith.constant 0 : i32
    %dma_wait3A_846 = arith.constant 0 : i32
    %dma_wait3A_847 = tpu.memref_slice %arg9[%dma_wait3A_836, %dma_wait3A_845, %dma_wait3A_846] : memref<24x16x128xf32, #tpu.memory_space<vmem>> -> memref<1x16x128xf32, #tpu.memory_space<vmem>>
    %dma_wait3A_848 = tpu.memref_squeeze %dma_wait3A_847 : memref<1x16x128xf32, #tpu.memory_space<vmem>> -> memref<16x128xf32, #tpu.memory_space<vmem>>
    tpu.wait_dma2 semaphore(%arg12 : memref<!tpu.dma_semaphore, #tpu.memory_space<semaphore_mem>>) src(%dma_wait3A_848 : memref<16x128xf32, #tpu.memory_space<vmem>>) dst(%dma_wait3A_844 : memref<16x128xf32, #tpu.memory_space<hbm>>)
    %dma_wait3A_849 = arith.constant 0 : i32
    %dma_wait3A_850 = arith.constant 0 : i32
    %dma_wait3A_851 = arith.constant 0 : i32
    %dma_wait3A_852 = tpu.memref_slice %arg9[%dma_wait3A_849, %dma_wait3A_850, %dma_wait3A_851] : memref<24x16x128xf32, #tpu.memory_space<vmem>> -> memref<1x16x128xf32, #tpu.memory_space<vmem>>
    %dma_wait3A_853 = tpu.memref_squeeze %dma_wait3A_852 : memref<1x16x128xf32, #tpu.memory_space<vmem>> -> memref<16x128xf32, #tpu.memory_space<vmem>>
    %dma_wait3A_854 = arith.constant 0 : i32
    %dma_wait3A_855 = tpu.memref_slice %arg5[%mul3A_2, %dma_wait3A_854] : memref<262144x128xf32, #tpu.memory_space<hbm>> -> memref<16x128xf32, #tpu.memory_space<hbm>>
    %dma_wait3A_856 = arith.constant 0 : i32
    %dma_wait3A_857 = tpu.memref_slice %arg5[%mul3A_2, %dma_wait3A_856] : memref<262144x128xf32, #tpu.memory_space<hbm>> -> memref<16x128xf32, #tpu.memory_space<hbm>>
    %dma_wait3A_858 = arith.constant 0 : i32
    %dma_wait3A_859 = arith.constant 0 : i32
    %dma_wait3A_860 = tpu.memref_slice %arg9[%dma_wait3A_849, %dma_wait3A_858, %dma_wait3A_859] : memref<24x16x128xf32, #tpu.memory_space<vmem>> -> memref<1x16x128xf32, #tpu.memory_space<vmem>>
    %dma_wait3A_861 = tpu.memref_squeeze %dma_wait3A_860 : memref<1x16x128xf32, #tpu.memory_space<vmem>> -> memref<16x128xf32, #tpu.memory_space<vmem>>
    tpu.wait_dma2 semaphore(%arg12 : memref<!tpu.dma_semaphore, #tpu.memory_space<semaphore_mem>>) src(%dma_wait3A_861 : memref<16x128xf32, #tpu.memory_space<vmem>>) dst(%dma_wait3A_857 : memref<16x128xf32, #tpu.memory_space<hbm>>)
    %dma_wait3A_862 = arith.constant 0 : i32
    %dma_wait3A_863 = arith.constant 0 : i32
    %dma_wait3A_864 = arith.constant 0 : i32
    %dma_wait3A_865 = tpu.memref_slice %arg9[%dma_wait3A_862, %dma_wait3A_863, %dma_wait3A_864] : memref<24x16x128xf32, #tpu.memory_space<vmem>> -> memref<1x16x128xf32, #tpu.memory_space<vmem>>
    %dma_wait3A_866 = tpu.memref_squeeze %dma_wait3A_865 : memref<1x16x128xf32, #tpu.memory_space<vmem>> -> memref<16x128xf32, #tpu.memory_space<vmem>>
    %dma_wait3A_867 = arith.constant 0 : i32
    %dma_wait3A_868 = tpu.memref_slice %arg5[%mul3A_2, %dma_wait3A_867] : memref<262144x128xf32, #tpu.memory_space<hbm>> -> memref<16x128xf32, #tpu.memory_space<hbm>>
    %dma_wait3A_869 = arith.constant 0 : i32
    %dma_wait3A_870 = tpu.memref_slice %arg5[%mul3A_2, %dma_wait3A_869] : memref<262144x128xf32, #tpu.memory_space<hbm>> -> memref<16x128xf32, #tpu.memory_space<hbm>>
    %dma_wait3A_871 = arith.constant 0 : i32
    %dma_wait3A_872 = arith.constant 0 : i32
    %dma_wait3A_873 = tpu.memref_slice %arg9[%dma_wait3A_862, %dma_wait3A_871, %dma_wait3A_872] : memref<24x16x128xf32, #tpu.memory_space<vmem>> -> memref<1x16x128xf32, #tpu.memory_space<vmem>>
    %dma_wait3A_874 = tpu.memref_squeeze %dma_wait3A_873 : memref<1x16x128xf32, #tpu.memory_space<vmem>> -> memref<16x128xf32, #tpu.memory_space<vmem>>
    tpu.wait_dma2 semaphore(%arg12 : memref<!tpu.dma_semaphore, #tpu.memory_space<semaphore_mem>>) src(%dma_wait3A_874 : memref<16x128xf32, #tpu.memory_space<vmem>>) dst(%dma_wait3A_870 : memref<16x128xf32, #tpu.memory_space<hbm>>)
    %dma_wait3A_875 = arith.constant 0 : i32
    %dma_wait3A_876 = arith.constant 0 : i32
    %dma_wait3A_877 = arith.constant 0 : i32
    %dma_wait3A_878 = tpu.memref_slice %arg9[%dma_wait3A_875, %dma_wait3A_876, %dma_wait3A_877] : memref<24x16x128xf32, #tpu.memory_space<vmem>> -> memref<1x16x128xf32, #tpu.memory_space<vmem>>
    %dma_wait3A_879 = tpu.memref_squeeze %dma_wait3A_878 : memref<1x16x128xf32, #tpu.memory_space<vmem>> -> memref<16x128xf32, #tpu.memory_space<vmem>>
    %dma_wait3A_880 = arith.constant 0 : i32
    %dma_wait3A_881 = tpu.memref_slice %arg5[%mul3A_2, %dma_wait3A_880] : memref<262144x128xf32, #tpu.memory_space<hbm>> -> memref<16x128xf32, #tpu.memory_space<hbm>>
    %dma_wait3A_882 = arith.constant 0 : i32
    %dma_wait3A_883 = tpu.memref_slice %arg5[%mul3A_2, %dma_wait3A_882] : memref<262144x128xf32, #tpu.memory_space<hbm>> -> memref<16x128xf32, #tpu.memory_space<hbm>>
    %dma_wait3A_884 = arith.constant 0 : i32
    %dma_wait3A_885 = arith.constant 0 : i32
    %dma_wait3A_886 = tpu.memref_slice %arg9[%dma_wait3A_875, %dma_wait3A_884, %dma_wait3A_885] : memref<24x16x128xf32, #tpu.memory_space<vmem>> -> memref<1x16x128xf32, #tpu.memory_space<vmem>>
    %dma_wait3A_887 = tpu.memref_squeeze %dma_wait3A_886 : memref<1x16x128xf32, #tpu.memory_space<vmem>> -> memref<16x128xf32, #tpu.memory_space<vmem>>
    tpu.wait_dma2 semaphore(%arg12 : memref<!tpu.dma_semaphore, #tpu.memory_space<semaphore_mem>>) src(%dma_wait3A_887 : memref<16x128xf32, #tpu.memory_space<vmem>>) dst(%dma_wait3A_883 : memref<16x128xf32, #tpu.memory_space<hbm>>)
    %dma_wait3A_888 = arith.constant 0 : i32
    %dma_wait3A_889 = arith.constant 0 : i32
    %dma_wait3A_890 = arith.constant 0 : i32
    %dma_wait3A_891 = tpu.memref_slice %arg9[%dma_wait3A_888, %dma_wait3A_889, %dma_wait3A_890] : memref<24x16x128xf32, #tpu.memory_space<vmem>> -> memref<1x16x128xf32, #tpu.memory_space<vmem>>
    %dma_wait3A_892 = tpu.memref_squeeze %dma_wait3A_891 : memref<1x16x128xf32, #tpu.memory_space<vmem>> -> memref<16x128xf32, #tpu.memory_space<vmem>>
    %dma_wait3A_893 = arith.constant 0 : i32
    %dma_wait3A_894 = tpu.memref_slice %arg5[%mul3A_2, %dma_wait3A_893] : memref<262144x128xf32, #tpu.memory_space<hbm>> -> memref<16x128xf32, #tpu.memory_space<hbm>>
    %dma_wait3A_895 = arith.constant 0 : i32
    %dma_wait3A_896 = tpu.memref_slice %arg5[%mul3A_2, %dma_wait3A_895] : memref<262144x128xf32, #tpu.memory_space<hbm>> -> memref<16x128xf32, #tpu.memory_space<hbm>>
    %dma_wait3A_897 = arith.constant 0 : i32
    %dma_wait3A_898 = arith.constant 0 : i32
    %dma_wait3A_899 = tpu.memref_slice %arg9[%dma_wait3A_888, %dma_wait3A_897, %dma_wait3A_898] : memref<24x16x128xf32, #tpu.memory_space<vmem>> -> memref<1x16x128xf32, #tpu.memory_space<vmem>>
    %dma_wait3A_900 = tpu.memref_squeeze %dma_wait3A_899 : memref<1x16x128xf32, #tpu.memory_space<vmem>> -> memref<16x128xf32, #tpu.memory_space<vmem>>
    tpu.wait_dma2 semaphore(%arg12 : memref<!tpu.dma_semaphore, #tpu.memory_space<semaphore_mem>>) src(%dma_wait3A_900 : memref<16x128xf32, #tpu.memory_space<vmem>>) dst(%dma_wait3A_896 : memref<16x128xf32, #tpu.memory_space<hbm>>)
    %dma_wait3A_901 = arith.constant 0 : i32
    %dma_wait3A_902 = arith.constant 0 : i32
    %dma_wait3A_903 = arith.constant 0 : i32
    %dma_wait3A_904 = tpu.memref_slice %arg9[%dma_wait3A_901, %dma_wait3A_902, %dma_wait3A_903] : memref<24x16x128xf32, #tpu.memory_space<vmem>> -> memref<1x16x128xf32, #tpu.memory_space<vmem>>
    %dma_wait3A_905 = tpu.memref_squeeze %dma_wait3A_904 : memref<1x16x128xf32, #tpu.memory_space<vmem>> -> memref<16x128xf32, #tpu.memory_space<vmem>>
    %dma_wait3A_906 = arith.constant 0 : i32
    %dma_wait3A_907 = tpu.memref_slice %arg5[%mul3A_2, %dma_wait3A_906] : memref<262144x128xf32, #tpu.memory_space<hbm>> -> memref<16x128xf32, #tpu.memory_space<hbm>>
    %dma_wait3A_908 = arith.constant 0 : i32
    %dma_wait3A_909 = tpu.memref_slice %arg5[%mul3A_2, %dma_wait3A_908] : memref<262144x128xf32, #tpu.memory_space<hbm>> -> memref<16x128xf32, #tpu.memory_space<hbm>>
    %dma_wait3A_910 = arith.constant 0 : i32
    %dma_wait3A_911 = arith.constant 0 : i32
    %dma_wait3A_912 = tpu.memref_slice %arg9[%dma_wait3A_901, %dma_wait3A_910, %dma_wait3A_911] : memref<24x16x128xf32, #tpu.memory_space<vmem>> -> memref<1x16x128xf32, #tpu.memory_space<vmem>>
    %dma_wait3A_913 = tpu.memref_squeeze %dma_wait3A_912 : memref<1x16x128xf32, #tpu.memory_space<vmem>> -> memref<16x128xf32, #tpu.memory_space<vmem>>
    tpu.wait_dma2 semaphore(%arg12 : memref<!tpu.dma_semaphore, #tpu.memory_space<semaphore_mem>>) src(%dma_wait3A_913 : memref<16x128xf32, #tpu.memory_space<vmem>>) dst(%dma_wait3A_909 : memref<16x128xf32, #tpu.memory_space<hbm>>)
    return
  }
}

</mosaic_0001>

<sc_bundles>
// kernel: kernel.3.cloned.1.call-start
scs
__scs_entry_jumppad:
0x0: {  	(pc) =	sbr.rel $0x88, $3  }
0x1: {  	(tag) =	ssettag $0x0;
	lr =	simm.s32 $0x1  }
0x2: {  	[smem:$0x3F9F] =	sst lr;
	_ =	strace $0xD0000000  }
0x3: {  	_ = 	snop  }
0x4: {  	_ = 	snop  }
0x5: {  	_ = 	snop  }
0x6: {  	_ = 	snop  }
0x7: {  	_ = 	snop  }
__scs_overlays_trampoline_lowered:
0x8: {  	[smem:$0x3FAE] =	sst s0  }
0x9: {  	[smem:$0x3FAF] =	sst s1  }
0xa: {  	[smem:$0x3FB0] =	sst s2  }
0xb: {  	[smem:$0x3FB1] =	sst s3  }
0xc: {  	[smem:$0x3FB2] =	sst s4  }
0xd: {  	[smem:$0x3FB3] =	sst s5  }
0xe: {  	[smem:$0x3FB4] =	sst s6  }
0xf: {  	[smem:$0x3FB5] =	sst s7  }
0x10: {  	[smem:$0x3FB6] =	sst s8  }
0x11: {  	[smem:$0x3FB7] =	sst s9;
	s0 =	simm.s32 @!p0 $0x0  }
0x12: {  	s1 =	sld [smem:$0x3F9D];
	s0 =	simm.s32 @p0 $0x1  }
0x13: {  	[smem:$0x3FB8] =	sst s0;
	s0 =	simm.s32 @!p1 $0x0  }
0x14: {  	s2 =	sld [smem:$0x3F9C];
	s0 =	simm.s32 @p1 $0x1  }
0x15: {  	[smem:$0x3FB9] =	sst s0;
	s0 =	simm.s32 @!p2 $0x0  }
0x16: {  	s3 =	sld [smem:$0x3FDB];
	s0 =	simm.s32 @p2 $0x1  }
0x17: {  	s4 =	simm.s32 $0x1BF5;
	[smem:$0x3FBB] =	sst s0  }
0x18: {  	s0 =	sld [smem:$0x3F9E];
	_ =	swait.ge [sflag:s4], $0x0  }
0x19: {  	s7 =	sld [smem:$0x3F9F]  }
0x1a: {  	s8 =	sadd.s32 $0xFFFFE003, lr  }
0x1b: {  	s9 =	sadd.s32 $0xFFFFFEF7, lr;
	s5 =	simm.s32 $0xFFFFFFFF;
	p2 =	slt.u32 s8, $0xFFFFF086  }
0x1c: {  	p1 =	slt.u32 s9, $0xF7A;
	s5 =	simm.s32 @!p2 $0x0  }
0x1d: {  	s5 =	simm.s32 @p1 $0x1;
	p0 =	seq.s32 s7, s2  }
0x1e: {  	s7 =	smul.u32 @!p0 $0xF7A, s2;
	p2 =	seq.s32 @!p0 s5, $0x0  }
0x1f: {  	s9 =	smul.u32 $0xF7A, s1;
	s8 =	simm.s32 @!p0 $0x1BF5;
	p2 =	por !p2, p0  }
0x20: {  	[sflag:s8] =	ssyncset.s32 @!p0 $0xFFFFF086;
	s6 =	sadd.s32 @!p0 s3, s7;
	s7 =	simm.s32 @!p0 $0x108  }
0x21: {  	s3 =	sadd.s32 s3, s9;
	s6 =	sadd.s32 @!p0 $0x88, s6;
	s7 =	simm.s32 @p2 $0x1082  }
0x22: {  	[simem:s7], [sflag:s8] =	dma.local @!p0 [hbm:s6], $0xF7A  }
0x23: {  	s9 =	sor.u32 $0xD0000000, s2;
	s6 =	simm.s32 $0x108;
	_ =	swait.ge @!p0 [sflag:s8], $0x0  }
0x24: {  	s3 =	sadd.s32 $0x88, s3;
	s6 =	simm.s32 @!p1 $0x1082;
	[sflag:s4] =	ssyncset.s32 $0xFFFFF086  }
0x25: {  	[simem:s6], [sflag:s4] =	dma.local [hbm:s3], $0xF7A  }
0x26: {  	[smem:$0x3F9F] =	sst s1;
	(tag) =	ssettag s2;
	_ =	strace s9  }
0x27: {  	s1 =	sld [smem:$0x3FAF]  }
0x28: {  	s2 =	sld [smem:$0x3FB0]  }
0x29: {  	s4 =	sld [smem:$0x3FB2]  }
0x2a: {  	p0 =	seq.s32 s5, $0x0;
	s5 =	sld [smem:$0x3FB3]  }
0x2b: {  	s6 =	sld [smem:$0x3FB4]  }
0x2c: {  	s7 =	sld [smem:$0x3FB5]  }
0x2d: {  	s3 =	simm.s32 $0x108;
	s8 =	sld [smem:$0x3FB6]  }
0x2e: {  	s3 =	simm.s32 @!p0 $0x1082;
	s9 =	sld [smem:$0x3FB7]  }
0x2f: {  	lr =	sadd.s32 s0, s3;
	s0 =	sld [smem:$0x3FAE]  }
0x30: {  	s3 =	sld [smem:$0x3FB1]  }
0x31: {  	[smem:$0x3FBA] =	sst s10  }
0x32: {  	s10 =	sld [smem:$0x3FB8];
	_ =	sdelay $0x3  }
0x33: {  	p0 =	seq.s32 s10, $0x1;
	s10 =	sld [smem:$0x3FBA];
	_ =	sdelay $0x3  }
0x34: {  	[smem:$0x3FBA] =	sst s10  }
0x35: {  	s10 =	sld [smem:$0x3FB9];
	_ =	sdelay $0x3  }
0x36: {  	p1 =	seq.s32 s10, $0x1;
	s10 =	sld [smem:$0x3FBA];
	_ =	sdelay $0x3  }
0x37: {  	[smem:$0x3FBA] =	sst s10  }
0x38: {  	s10 =	sld [smem:$0x3FBB]  }
0x39: {  	_ = 	snop;
	(pc) =	sbr.ind lr, $3  }
0x3a: {  	_ = 	snop  }
0x3b: {  	_ = 	snop  }
0x3c: {  	p2 =	seq.s32 s10, $0x1;
	s10 =	sld [smem:$0x3FBA]  }
0x3d: {  	_ =	shalt  }
0x3e: {  	_ =	shalt  }
0x3f: {  	_ =	shalt  }
0x40: {  	_ =	shalt  }
0x41: {  	_ =	shalt  }
0x42: {  	_ =	shalt  }
0x43: {  	_ =	shalt  }
0x44: {  	_ =	shalt  }
0x45: {  	_ =	shalt  }
0x46: {  	_ =	shalt  }
0x47: {  	_ =	shalt  }
0x48: {  	_ =	shalt  }
0x49: {  	_ =	shalt  }
0x4a: {  	_ =	shalt  }
0x4b: {  	_ =	shalt  }
0x4c: {  	_ =	shalt  }
0x4d: {  	_ =	shalt  }
0x4e: {  	_ =	shalt  }
0x4f: {  	_ =	shalt  }
0x50: {  	_ =	shalt  }
0x51: {  	_ =	shalt  }
0x52: {  	_ =	shalt  }
0x53: {  	_ =	shalt  }
0x54: {  	_ =	shalt  }
0x55: {  	_ =	shalt  }
0x56: {  	_ =	shalt  }
0x57: {  	_ =	shalt  }
0x58: {  	_ =	shalt  }
0x59: {  	_ =	shalt  }
0x5a: {  	_ =	shalt  }
0x5b: {  	_ =	shalt  }
0x5c: {  	_ =	shalt  }
0x5d: {  	_ =	shalt  }
0x5e: {  	_ =	shalt  }
0x5f: {  	_ =	shalt  }
0x60: {  	_ =	shalt  }
0x61: {  	_ =	shalt  }
0x62: {  	_ =	shalt  }
0x63: {  	_ =	shalt  }
0x64: {  	_ =	shalt  }
0x65: {  	_ =	shalt  }
0x66: {  	_ =	shalt  }
0x67: {  	_ =	shalt  }
0x68: {  	_ =	shalt  }
0x69: {  	_ =	shalt  }
0x6a: {  	_ =	shalt  }
0x6b: {  	_ =	shalt  }
0x6c: {  	_ =	shalt  }
0x6d: {  	_ =	shalt  }
0x6e: {  	_ =	shalt  }
0x6f: {  	_ =	shalt  }
0x70: {  	_ =	shalt  }
0x71: {  	_ =	shalt  }
0x72: {  	_ =	shalt  }
0x73: {  	_ =	shalt  }
0x74: {  	_ =	shalt  }
0x75: {  	_ =	shalt  }
0x76: {  	_ =	shalt  }
0x77: {  	_ =	shalt  }
0x78: {  	_ =	shalt  }
0x79: {  	_ =	shalt  }
0x7a: {  	_ =	shalt  }
0x7b: {  	_ =	shalt  }
0x7c: {  	_ =	shalt  }
0x7d: {  	_ =	shalt  }
0x7e: {  	_ =	shalt  }
0x7f: {  	_ =	shalt  }
0x80: {  	_ =	shalt  }
0x81: {  	_ =	shalt  }
0x82: {  	_ =	shalt  }
0x83: {  	_ =	shalt  }
0x84: {  	_ =	shalt  }
0x85: {  	_ =	shalt  }
0x86: {  	_ =	shalt  }
0x87: {  	_ =	shalt  }
.Lfunc_end0:
.L_simem_size_0:
called_computation_lowered:
.L_overlay_start_0:
0x88: {  	s2 =	sld [smem:$0x3FD9]  }
0x89: {  	s3 =	sld [smem:$0x3FFE];
	_ =	sdelay $0x1  }
0x8a: {  	s1 =	srdreg.scid  }
0x8b: {  	s0 =	sand.u32 $0x1, s1  }
0x8c: {  	s17 =	sshll.u32 s0, $0xA;
	s2 =	sadd.s32 s3, s2  }
0x8d: {  	s2 =	sadd.s32 s2, s17  }
0x8e: {  	[smem:$0x3FC6] =	sst s2  }
0x8f: {  	_ = 	snop  }
0x90: {  	s2 =	sld [smem:$0x3FC8]  }
0x91: {  	s18 =	sld [smem:$0x3FD0];
	(tm) =	ssettm $0x1  }
0x92: {  	s4 =	sld [smem:$0x3FFB];
	_ =	sdelay $0x3  }
0x93: {  	_ =	strace s4  }
0x94: {  	s4 =	sld [smem:$0x3FFC];
	_ =	sdelay $0x3  }
0x95: {  	_ =	strace s4  }
0x96: {  	s4 =	sld [smem:$0x3FFD];
	_ =	sdelay $0x3  }
0x97: {  	_ =	strace s4  }
0x98: {  	_ =	strace $0x8FFFFFFF  }
0x99: {  	s19 =	sld [smem:$0x3FDB];
	_ =	sdelay $0x1  }
0x9a: {  	s5 =	simm.s32 $_scs_section_size  }
0x9b: {  	s6 =	simm.s32 $_size__tile_overlayer_lowered;
	s7 =	simm.s32 $_tile_overlayer_lowered  }
0x9c: {  	s22 =	simm.s32 $0x1BFF;
	s21 =	sshll.u32 s7, $0x1;
	s4 =	sadd.s32 s5, s19  }
0x9d: {  	s8 =	simm.s32 $0x0;
	s20 =	sshll.u32 s6, $0x1;
	s6 =	sadd.s32 s21, s4  }
0x9e: {  	[timem:s8], [sflag:s22] =	dma.local [hbm:s6], s20  }
0x9f: {  	_ =	swait.ge [sflag:s22], s20  }
0xa0: {  	s5 =	ssub.s32 $0x0, s20;
	[sflag:s22] =	ssyncset.done $0x0  }
0xa1: {  	[sflag:s22] =	ssyncadd.s32 s5;
	_ =	sdelay $0x1  }
0xa2: {  	s23 =	simm.s32 $0x1B8B  }
0xa3: {  	_ =	swait.ge [sflag:s23], $0x1  }
0xa4: {  	[sflag:s23] =	ssyncset.done $0x0  }
0xa5: {  	s25 =	simm.s32 $0x1B8E;
	s24 =	sld [smem:$0x3FFE];
	[sflag:s23] =	ssyncadd.s32 $0xFFFFFFFF  }
0xa6: {  	s26 =	simm.s32 $execute0_lowered;
	[smem:$0x3FD2] =	sst s25  }
0xa7: {  	s6 =	sshll.u32 s26, $0x1;
	_ =	strace $0x80000046;
	[dreg:$0x1] =	wrdreg $0xFFFFFFFF  }
0xa8: {  	s28 =	simm.s32 $_size_execute0_lowered;
	s4 =	sadd.s32 s4, s6;
	[dreg:$0x0] =	wrdreg $0x0  }
0xa9: {  	s6 =	sshll.u32 s28, $0x1;
	[dreg:$0x2] =	wrdreg s4  }
0xaa: {  	[dreg:$0x3] =	wrdreg s6  }
0xab: {  	[dreg:$0x4] =	wrdreg $0xC0  }
0xac: {  	_ =	task [dreg:s8], $0x5FFFF  }
0xad: {  	[dreg:$0x1] =	wrdreg $0xFFFFFFFF  }
0xae: {  	[dreg:$0x0] =	wrdreg $0x60  }
0xaf: {  	[dreg:$0x2] =	wrdreg s24  }
0xb0: {  	[dreg:$0x3] =	wrdreg s2  }
0xb1: {  	[dreg:$0x4] =	wrdreg s18  }
0xb2: {  	[dreg:$0x5] =	wrdreg $0x1E0800  }
0xb3: {  	[dreg:$0x6] =	wrdreg $0x9  }
0xb4: {  	_ =	task.clear_ibuf [dreg:s8], $0x7FFFF;
	_ =	strace $0x90000046  }
0xb5: {  	s29 =	simm.s32 $0x9;
	_ =	strace $0x80000048  }
0xb6: {  	_ =	swait.ge [sflag:s29], $0x1  }
0xb7: {  	[sflag:s29] =	ssyncadd.s32 $0xFFFFFFFF  }
0xb8: {  	_ =	strace $0x90000048  }
0xb9: {  	_ =	sfence  }
0xba: {  	s30 =	sld [smem:$0x0];
	_ =	sdelay $0x2  }
0xbb: {  	s31 =	sshll.u32 s1, $0xD;
	s1 =	sshrl.u32 s1, $0x2  }
0xbc: {  	s3 =	sand.u32 $0x4000, s31;
	s1 =	sadd.s32 s1, s30  }
0xbd: {  	s0 =	sor.u32 s3, s0;
	s1 =	sshll.u32 s1, $0x11  }
0xbe: {  	s0 =	sor.u32 s1, s0  }
0xbf: {  	s0 =	sadd.s32 $0x8F2B, s0  }
0xc0: {  	[sflag:s0] =	ssyncadd.remote.s32 $0x1  }
0xc1: {  	_ =	sfence.sel $0xFFFF  }
0xc2: {  	[dreg:$0x0] =	wrdreg $0xFFFFFFFF;
	(pc) =	sbr.abs _section_cstart, $3  }
0xc3: {  	[dreg:$0x1] =	wrdreg $0xFFFFFFFF  }
0xc4: {  	_ =	task.clear_ibuf [dreg:s8], $0x2FFFF;
	_ =	strace $0x9FFFFFFF  }
0xc5: {  	(tm) =	ssettm $0x7FFFFFFF  }
tec
execute0_lowered:
.L_overlay_start_1:
0x0: {  	(tag) =	ssettag $0x1  }
0x1: {  	s0 =	rddreg [dreg:$0x0]  }
0x2: {  	s1 =	rddreg [dreg:$0x2]  }
0x3: {  	s2 =	rddreg [dreg:$0x3]  }
0x4: {  	s3 =	srdreg.scid;
	s6 =	stileid.u32  }
0x5: {  	s9 =	simm.s32 $0x12000;
	s10 =	simm.s32 $0x3;
	s11 =	simm.s32 $0x10  }
0x6: {  	s28 =	simm.s32 $0x15880;
	s29 =	simm.s32 $0x2400;
	s30 =	simm.s32 $0x16080  }
0x7: {  	s31 =	simm.s32 $0x2480;
	s12 =	simm.s32 $0x17080;
	s13 =	simm.s32 $0x2580  }
0x8: {  	s14 =	simm.s32 $0x17880;
	s15 =	simm.s32 $0x1;
	s16 =	simm.s32 $0x2  }
0x9: {  	s17 =	simm.s32 $0x0;
	s7 =	sand.u32 $0x1, s3;
	s3 =	simm.s32 $0x0  }
0xa: {  	s4 =	sshll.u32 s6, $0xE;
	s26 =	sshll.u32 s6, $0x12;
	p0 =	sne.s32 s6, $0x0  }
0xb: {  	s5 =	sshll.u32 s7, $0xD;
	[smem:$0x7FF] =	sst s3;
	s24 =	ssub.s32 $0x2, s7  }
0xc: {  	s1 =	sadd.s32 s26, s1;
	s7 =	sshll.u32 s7, $0x11;
	s4 =	sor.u32 s5, s4  }
0xd: {  	_ =	strace $0x80000047;
	s25 =	sshrl.u32 s24, $0x1;
	s4 =	sshrl.u32 s4, $0x3  }
0xe: {  	s7 =	sadd.s32 s7, s1;
	s1 =	simm.s32 $0x2500;
	s8 =	sadd.s32 s4, s0  }
0xf: {  	s4 =	sadd.s32 $0x8400, s0;
	s0 =	ssub.s32 s24, s25;
	s5 =	sadd.s32 $0x400, s8  }
0x10: {  	v0 =	vimm.s32 $0x0;
	s6 =	smax.u32 s0, $0x1;
	s8 =	sshrl.u32 @!p0 s2, $0x3;
	s0 =	simm.s32 $0x16880  }
.LBB2_1:
0x11: {  	s18 =	simm.s32 @!p0 $0x1C01;
	s19 =	rddreg [dreg:$0x1]  }
0x12: {  	[spmem:s8], [sflag:s18] =	dma.local @!p0 [hbm:s19], $0x640  }
0x13: {  	[tilespmem:s9], [sflag:$0x3] =	stream.linear.gather [hbm4b:s4+s3], $0x80, $0x38;
	[tilespmem:$0x1E3A0] =	vst v63  }
0x14: {  	_ =	swait.ge [sflag:s10], $0x80  }
0x15: {  	[sflag:s10] =	ssyncset.done $0x0  }
0x16: {  	[sflag:s10] =	ssyncadd.s32 $0xFFFFFF80  }
0x17: {  	[tilespmem:s3], [sflag:$0x3] =	stream.linear.gather [hbm4b:s5+s3], $0x2000, $0x38;
	[tilespmem:$0x1E3A0] =	vst v63  }
0x18: {  	_ =	swait.ge [sflag:s10], $0x2000  }
0x19: {  	[sflag:s10] =	ssyncset.done $0x0  }
0x1a: {  	[sflag:s10] =	ssyncadd.s32 $0xFFFFE000  }
0x1b: {  	v1 =	vld [tilespmem:$0x0];
	_ =	sdelay $0x4  }
0x1c: {  	v2 =	vmul.f32 $1.960000000e+02, v1;
	_ =	sdelay $0x1  }
0x1d: {  	v2 =	vtrunc.f32 v2  }
0x1e: {  	v2 =	vcvt.f32.s32 v2;
	_ =	sdelay $0x1  }
0x1f: {  	v2 =	vadd.s32 $0x1, v2  }
0x20: {  	v3 =	vld [tilespmem:$0x10];
	vm0 =	vgt.s32 v2, $0x0  }
0x21: {  	v2 =	vnsel vm0, $0x0, v2  }
0x22: {  	v2 =	vmin.u32 v2, $0x63  }
0x23: {  	v4 =	vadd.s32 $0x1, v2;
	_ =	sdelay $0x1  }
0x24: {  	v5 =	vmul.f32 $1.960000000e+02, v3;
	_ =	sdelay $0x1  }
0x25: {  	v5 =	vtrunc.f32 v5;
	v6 =	vld.idx.msk [tilespmem:v2+s9+$0x0], $0xffff  }
0x26: {  	v5 =	vcvt.f32.s32 v5;
	v4 =	vld.idx.msk [tilespmem:v4+s9+$0x0], $0xffff;
	_ =	sdelay $0x1  }
0x27: {  	v5 =	vadd.s32 $0x1, v5  }
0x28: {  	v7 =	vld [tilespmem:$0x20];
	vm6 =	vgt.s32 v5, $0x0  }
0x29: {  	v5 =	vnsel vm6, $0x0, v5  }
0x2a: {  	vm1 =	vlt.f32 v1, v6;
	vm7 =	vge.f32 v1, v4;
	v1 =	vmin.u32 v5, $0x63  }
0x2b: {  	v22 =	vsel vm1, $0xFFFFFFFF, v0;
	v4 =	vsel vm7, $0x1, v0;
	v23 =	vadd.s32 $0x1, v1  }
0x2c: {  	v4 =	vadd.s32 v22, v4  }
0x2d: {  	v24 =	vmul.f32 $1.960000000e+02, v7;
	v2 =	vadd.s32 v2, v4  }
0x2e: {  	[tilespmem:$0x2000] =	vst v2  }
0x2f: {  	v4 =	vtrunc.f32 v24;
	v2 =	vld.idx.msk [tilespmem:v1+s9+$0x0], $0xffff  }
0x30: {  	v4 =	vcvt.f32.s32 v4;
	v25 =	vld.idx.msk [tilespmem:v23+s9+$0x0], $0xffff;
	_ =	sdelay $0x1  }
0x31: {  	v4 =	vadd.s32 $0x1, v4  }
0x32: {  	v26 =	vld [tilespmem:$0x30];
	vm8 =	vgt.s32 v4, $0x0  }
0x33: {  	v4 =	vnsel vm8, $0x0, v4  }
0x34: {  	vm10 =	vlt.f32 v3, v2;
	v2 =	vmin.u32 v4, $0x63;
	vm9 =	vge.f32 v3, v25  }
0x35: {  	v27 =	vsel vm10, $0xFFFFFFFF, v0;
	v28 =	vadd.s32 $0x1, v2;
	v3 =	vsel vm9, $0x1, v0  }
0x36: {  	v3 =	vadd.s32 v27, v3  }
0x37: {  	v1 =	vadd.s32 v1, v3;
	v3 =	vmul.f32 $1.960000000e+02, v26  }
0x38: {  	[tilespmem:$0x2080] =	vst v1  }
0x39: {  	v1 =	vld.idx.msk [tilespmem:v2+s9+$0x0], $0xffff;
	v3 =	vtrunc.f32 v3  }
0x3a: {  	v29 =	vld.idx.msk [tilespmem:v28+s9+$0x0], $0xffff;
	v3 =	vcvt.f32.s32 v3;
	_ =	sdelay $0x1  }
0x3b: {  	v3 =	vadd.s32 $0x1, v3  }
0x3c: {  	v30 =	vld [tilespmem:$0x40];
	vm11 =	vgt.s32 v3, $0x0  }
0x3d: {  	v3 =	vnsel vm11, $0x0, v3  }
0x3e: {  	vm12 =	vge.f32 v7, v29;
	vm13 =	vlt.f32 v7, v1;
	v1 =	vmin.u32 v3, $0x63  }
0x3f: {  	v3 =	vsel vm12, $0x1, v0;
	v31 =	vsel vm13, $0xFFFFFFFF, v0;
	v32 =	vadd.s32 $0x1, v1  }
0x40: {  	v3 =	vadd.s32 v31, v3  }
0x41: {  	v2 =	vadd.s32 v2, v3;
	v3 =	vmul.f32 $1.960000000e+02, v30  }
0x42: {  	[tilespmem:$0x2100] =	vst v2  }
0x43: {  	v3 =	vtrunc.f32 v3;
	v2 =	vld.idx.msk [tilespmem:v1+s9+$0x0], $0xffff  }
0x44: {  	v3 =	vcvt.f32.s32 v3;
	v33 =	vld.idx.msk [tilespmem:v32+s9+$0x0], $0xffff;
	_ =	sdelay $0x1  }
0x45: {  	v3 =	vadd.s32 $0x1, v3  }
0x46: {  	v34 =	vld [tilespmem:$0x50];
	vm14 =	vgt.s32 v3, $0x0  }
0x47: {  	v3 =	vnsel vm14, $0x0, v3  }
0x48: {  	vm4 =	vlt.f32 v26, v2;
	v2 =	vmin.u32 v3, $0x63;
	vm15 =	vge.f32 v26, v33  }
0x49: {  	v35 =	vsel vm4, $0xFFFFFFFF, v0;
	v36 =	vadd.s32 $0x1, v2;
	v3 =	vsel vm15, $0x1, v0  }
0x4a: {  	v3 =	vadd.s32 v35, v3  }
0x4b: {  	v1 =	vadd.s32 v1, v3;
	v3 =	vmul.f32 $1.960000000e+02, v34  }
0x4c: {  	[tilespmem:$0x2180] =	vst v1  }
0x4d: {  	v1 =	vld.idx.msk [tilespmem:v2+s9+$0x0], $0xffff;
	v3 =	vtrunc.f32 v3  }
0x4e: {  	v37 =	vld.idx.msk [tilespmem:v36+s9+$0x0], $0xffff;
	v3 =	vcvt.f32.s32 v3;
	_ =	sdelay $0x1  }
0x4f: {  	v3 =	vadd.s32 $0x1, v3  }
0x50: {  	v38 =	vld [tilespmem:$0x60];
	vm5 =	vgt.s32 v3, $0x0  }
0x51: {  	v3 =	vnsel vm5, $0x0, v3  }
0x52: {  	vm6 =	vge.f32 v30, v37;
	vm7 =	vlt.f32 v30, v1;
	v1 =	vmin.u32 v3, $0x63  }
0x53: {  	v3 =	vsel vm6, $0x1, v0;
	v39 =	vsel vm7, $0xFFFFFFFF, v0;
	v40 =	vadd.s32 $0x1, v1  }
0x54: {  	v3 =	vadd.s32 v39, v3  }
0x55: {  	v2 =	vadd.s32 v2, v3;
	v3 =	vmul.f32 $1.960000000e+02, v38  }
0x56: {  	[tilespmem:$0x2200] =	vst v2  }
0x57: {  	v3 =	vtrunc.f32 v3;
	v2 =	vld.idx.msk [tilespmem:v1+s9+$0x0], $0xffff  }
0x58: {  	v3 =	vcvt.f32.s32 v3;
	v41 =	vld.idx.msk [tilespmem:v40+s9+$0x0], $0xffff;
	_ =	sdelay $0x1  }
0x59: {  	v3 =	vadd.s32 $0x1, v3  }
0x5a: {  	v42 =	vld [tilespmem:$0x70];
	vm8 =	vgt.s32 v3, $0x0  }
0x5b: {  	v3 =	vnsel vm8, $0x0, v3  }
0x5c: {  	vm10 =	vlt.f32 v34, v2;
	v2 =	vmin.u32 v3, $0x63;
	vm9 =	vge.f32 v34, v41  }
0x5d: {  	v43 =	vsel vm10, $0xFFFFFFFF, v0;
	v44 =	vadd.s32 $0x1, v2;
	v3 =	vsel vm9, $0x1, v0  }
0x5e: {  	v3 =	vadd.s32 v43, v3  }
0x5f: {  	v1 =	vadd.s32 v1, v3;
	v3 =	vmul.f32 $1.960000000e+02, v42  }
0x60: {  	[tilespmem:$0x2280] =	vst v1  }
0x61: {  	v1 =	vld.idx.msk [tilespmem:v2+s9+$0x0], $0xffff;
	v3 =	vtrunc.f32 v3  }
0x62: {  	v45 =	vld.idx.msk [tilespmem:v44+s9+$0x0], $0xffff;
	v3 =	vcvt.f32.s32 v3;
	_ =	sdelay $0x1  }
0x63: {  	v3 =	vadd.s32 $0x1, v3  }
0x64: {  	v46 =	vld [tilespmem:$0x80];
	vm11 =	vgt.s32 v3, $0x0  }
0x65: {  	v3 =	vnsel vm11, $0x0, v3  }
0x66: {  	vm12 =	vge.f32 v38, v45;
	vm13 =	vlt.f32 v38, v1;
	v1 =	vmin.u32 v3, $0x63  }
0x67: {  	v3 =	vsel vm12, $0x1, v0;
	v47 =	vsel vm13, $0xFFFFFFFF, v0;
	v48 =	vadd.s32 $0x1, v1  }
0x68: {  	v3 =	vadd.s32 v47, v3  }
0x69: {  	v2 =	vadd.s32 v2, v3;
	v3 =	vmul.f32 $1.960000000e+02, v46  }
0x6a: {  	[tilespmem:$0x2300] =	vst v2  }
0x6b: {  	v3 =	vtrunc.f32 v3;
	v2 =	vld.idx.msk [tilespmem:v1+s9+$0x0], $0xffff  }
0x6c: {  	v3 =	vcvt.f32.s32 v3;
	v49 =	vld.idx.msk [tilespmem:v48+s9+$0x0], $0xffff;
	_ =	sdelay $0x1  }
0x6d: {  	v3 =	vadd.s32 $0x1, v3  }
0x6e: {  	v50 =	vld [tilespmem:$0x90];
	vm14 =	vgt.s32 v3, $0x0  }
0x6f: {  	v3 =	vnsel vm14, $0x0, v3  }
0x70: {  	vm4 =	vlt.f32 v42, v2;
	v2 =	vmin.u32 v3, $0x63;
	vm15 =	vge.f32 v42, v49  }
0x71: {  	v51 =	vsel vm4, $0xFFFFFFFF, v0;
	v52 =	vadd.s32 $0x1, v2;
	v3 =	vsel vm15, $0x1, v0  }
0x72: {  	v3 =	vadd.s32 v51, v3  }
0x73: {  	v1 =	vadd.s32 v1, v3;
	v3 =	vmul.f32 $1.960000000e+02, v50  }
0x74: {  	[tilespmem:$0x2380] =	vst v1  }
0x75: {  	v1 =	vld.idx.msk [tilespmem:v2+s9+$0x0], $0xffff;
	v3 =	vtrunc.f32 v3  }
0x76: {  	v53 =	vld.idx.msk [tilespmem:v52+s9+$0x0], $0xffff;
	v3 =	vcvt.f32.s32 v3;
	_ =	sdelay $0x1  }
0x77: {  	v3 =	vadd.s32 $0x1, v3  }
0x78: {  	v54 =	vld [tilespmem:$0xA0];
	vm5 =	vgt.s32 v3, $0x0  }
0x79: {  	v3 =	vnsel vm5, $0x0, v3  }
0x7a: {  	vm6 =	vge.f32 v46, v53;
	vm7 =	vlt.f32 v46, v1;
	v1 =	vmin.u32 v3, $0x63  }
0x7b: {  	v3 =	vsel vm6, $0x1, v0;
	v55 =	vsel vm7, $0xFFFFFFFF, v0;
	v56 =	vadd.s32 $0x1, v1  }
0x7c: {  	v3 =	vadd.s32 v55, v3  }
0x7d: {  	v2 =	vadd.s32 v2, v3;
	v3 =	vmul.f32 $1.960000000e+02, v54  }
0x7e: {  	[tilespmem:$0x2400] =	vst v2  }
0x7f: {  	v3 =	vtrunc.f32 v3;
	v2 =	vld.idx.msk [tilespmem:v1+s9+$0x0], $0xffff  }
0x80: {  	v3 =	vcvt.f32.s32 v3;
	v57 =	vld.idx.msk [tilespmem:v56+s9+$0x0], $0xffff;
	_ =	sdelay $0x1  }
0x81: {  	v3 =	vadd.s32 $0x1, v3  }
0x82: {  	v58 =	vld [tilespmem:$0xB0];
	vm8 =	vgt.s32 v3, $0x0  }
0x83: {  	v3 =	vnsel vm8, $0x0, v3  }
0x84: {  	vm10 =	vlt.f32 v50, v2;
	v2 =	vmin.u32 v3, $0x63;
	vm9 =	vge.f32 v50, v57  }
0x85: {  	v59 =	vsel vm10, $0xFFFFFFFF, v0;
	v60 =	vadd.s32 $0x1, v2;
	v3 =	vsel vm9, $0x1, v0  }
0x86: {  	v3 =	vadd.s32 v59, v3  }
0x87: {  	v1 =	vadd.s32 v1, v3;
	v3 =	vmul.f32 $1.960000000e+02, v58  }
0x88: {  	[tilespmem:$0x2480] =	vst v1  }
0x89: {  	v1 =	vld.idx.msk [tilespmem:v2+s9+$0x0], $0xffff;
	v3 =	vtrunc.f32 v3  }
0x8a: {  	v61 =	vld.idx.msk [tilespmem:v60+s9+$0x0], $0xffff;
	v3 =	vcvt.f32.s32 v3;
	_ =	sdelay $0x1  }
0x8b: {  	v3 =	vadd.s32 $0x1, v3  }
0x8c: {  	vm11 =	vgt.s32 v3, $0x0  }
0x8d: {  	v3 =	vnsel vm11, $0x0, v3  }
0x8e: {  	vm12 =	vge.f32 v54, v61;
	vm13 =	vlt.f32 v54, v1;
	v1 =	vmin.u32 v3, $0x63  }
0x8f: {  	v3 =	vsel vm12, $0x1, v0;
	v62 =	vsel vm13, $0xFFFFFFFF, v0;
	v63 =	vadd.s32 $0x1, v1  }
0x90: {  	v3 =	vadd.s32 v62, v3  }
0x91: {  	v2 =	vadd.s32 v2, v3  }
0x92: {  	[tilespmem:$0x2500] =	vst v2  }
0x93: {  	v2 =	vld.idx.msk [tilespmem:v1+s9+$0x0], $0xffff  }
0x94: {  	v3 =	vld.idx.msk [tilespmem:v63+s9+$0x0], $0xffff;
	_ =	sdelay $0x4  }
0x95: {  	vm15 =	vlt.f32 v58, v2;
	vm14 =	vge.f32 v58, v3  }
0x96: {  	v3 =	vsel vm15, $0xFFFFFFFF, v0;
	v2 =	vsel vm14, $0x1, v0  }
0x97: {  	v2 =	vadd.s32 v3, v2  }
0x98: {  	v1 =	vadd.s32 v1, v2  }
0x99: {  	s18 =	simm.s32 @!p0 $0x1;
	[tilespmem:$0x2580] =	vst v1  }
0x9a: {  	_ =	swait.ge @!p0 [sflag:s18], $0x640  }
0x9b: {  	[sflag:s18] =	ssyncset.done @!p0 $0x0  }
0x9c: {  	[sflag:s18] =	ssyncadd.s32 @!p0 $0xFFFFF9C0  }
0x9d: {  	s25 =	simm.s32 $0x2000;
	s26 =	simm.s32 $0x12080;
	[bflag:$0x0] =	sbarrier.arrive $0xFFFF  }
0x9e: {  	[tilespmem:s26], [sflag:$0x1] =	stream.indirect.gather [spmem:s2], $0x80, s25, s11, $0xb8;
	[tilespmem:$0x1E3A0] =	vst v63  }
0x9f: {  	s20 =	simm.s32 $0x12880;
	s19 =	simm.s32 $0x2080  }
0xa0: {  	[tilespmem:s20], [sflag:$0x1] =	stream.indirect.gather [spmem:s2], $0x80, s19, s11, $0xb8;
	[tilespmem:$0x1E3A0] =	vst v63  }
0xa1: {  	s21 =	simm.s32 $0x2100;
	s22 =	simm.s32 $0x13080  }
0xa2: {  	[tilespmem:s22], [sflag:$0x1] =	stream.indirect.gather [spmem:s2], $0x80, s21, s11, $0xb8;
	[tilespmem:$0x1E3A0] =	vst v63  }
0xa3: {  	s23 =	simm.s32 $0x2180;
	s24 =	simm.s32 $0x13880  }
0xa4: {  	[tilespmem:s24], [sflag:$0x1] =	stream.indirect.gather [spmem:s2], $0x80, s23, s11, $0xb8;
	[tilespmem:$0x1E3A0] =	vst v63  }
0xa5: {  	s25 =	simm.s32 $0x2200;
	s26 =	simm.s32 $0x14080  }
0xa6: {  	[tilespmem:s26], [sflag:$0x1] =	stream.indirect.gather [spmem:s2], $0x80, s25, s11, $0xb8;
	[tilespmem:$0x1E3A0] =	vst v63  }
0xa7: {  	s19 =	simm.s32 $0x2280;
	s20 =	simm.s32 $0x14880  }
0xa8: {  	[tilespmem:s20], [sflag:$0x1] =	stream.indirect.gather [spmem:s2], $0x80, s19, s11, $0xb8;
	[tilespmem:$0x1E3A0] =	vst v63  }
0xa9: {  	s21 =	simm.s32 $0x2300;
	s22 =	simm.s32 $0x15080  }
0xaa: {  	[tilespmem:s22], [sflag:$0x1] =	stream.indirect.gather [spmem:s2], $0x80, s21, s11, $0xb8;
	[tilespmem:$0x1E3A0] =	vst v63  }
0xab: {  	s23 =	simm.s32 $0x2380  }
0xac: {  	[tilespmem:s28], [sflag:$0x1] =	stream.indirect.gather [spmem:s2], $0x80, s23, s11, $0xb8;
	[tilespmem:$0x1E3A0] =	vst v63  }
0xad: {  	s24 =	smul.u32 $0xAAAB, s3  }
0xae: {  	[tilespmem:s30], [sflag:$0x1] =	stream.indirect.gather [spmem:s2], $0x80, s29, s11, $0xb8;
	[tilespmem:$0x1E3A0] =	vst v63  }
0xaf: {  	s18 =	sshrl.u32 s24, $0x14  }
0xb0: {  	[tilespmem:s0], [sflag:$0x1] =	stream.indirect.gather [spmem:s2], $0x80, s31, s11, $0xb8;
	[tilespmem:$0x1E3A0] =	vst v63  }
0xb1: {  	s18 =	smul.u32 $0x18, s18  }
0xb2: {  	[tilespmem:s12], [sflag:$0x1] =	stream.indirect.gather [spmem:s2], $0x80, s1, s11, $0xb8;
	[tilespmem:$0x1E3A0] =	vst v63  }
0xb3: {  	s18 =	ssub.s32 $0x0, s18  }
0xb4: {  	[tilespmem:s14], [sflag:$0x1] =	stream.indirect.gather [spmem:s2], $0x80, s13, s11, $0xb8;
	[tilespmem:$0x1E3A0] =	vst v63  }
0xb5: {  	s18 =	sand.u32 $0xFFFF, s18;
	_ =	swait.ge [sflag:s15], $0x800  }
0xb6: {  	p1 =	por $0x0, $0x0;
	s18 =	sshll.u32 s18, $0xB;
	[sflag:s15] =	ssyncset.done $0x0  }
0xb7: {  	s19 =	simm.s32 $0xC0;
	s18 =	sadd.s32 $0x12080, s18;
	[sflag:s15] =	ssyncadd.s32 $0xFFFFF800  }
0xb8: {  	[hbm4b:s7+s3] =	stream.linear.scatter [tilespmem:s18], [sflag:$0x2], $0x800, $0x38;
	[tilespmem:$0x1E3A0] =	vst v63  }
0xb9: {  	v1 =	vld @!p1 [tilespmem:s19+$0x0];
	_ =	sdelay $0x4  }
0xba: {  	v2 =	vmul.f32 @!p1 $1.960000000e+02, v1;
	_ =	sdelay $0x1  }
0xbb: {  	v2 =	vtrunc.f32 @!p1 v2  }
0xbc: {  	v2 =	vcvt.f32.s32 @!p1 v2;
	_ =	sdelay $0x1  }
0xbd: {  	v2 =	vadd.s32 @!p1 $0x1, v2  }
0xbe: {  	vm0 =	vgt.s32 @!p1 v2, $0x0  }
0xbf: {  	v2 =	vnsel @!p1 vm0, $0x0, v2  }
0xc0: {  	v2 =	vmin.u32 @!p1 v2, $0x63  }
0xc1: {  	v3 =	vadd.s32 @!p1 $0x1, v2;
	_ =	sdelay $0x2  }
0xc2: {  	s18 =	simm.s32 @!p1 $0x12000  }
0xc3: {  	v4 =	vld.idx.msk @!p1 [tilespmem:v2+s18+$0x0], $0xffff  }
0xc4: {  	v3 =	vld.idx.msk @!p1 [tilespmem:v3+s18+$0x0], $0xffff;
	_ =	sdelay $0x1  }
0xc5: {  	s19 =	simm.s32 $0xC  }
0xc6: {  	s18 =	smul.u32 @!p1 $0xAAAB, s19;
	_ =	sdelay $0x1  }
0xc7: {  	p2 =	por @!p1 $0x1, $0x1;
	s18 =	sshrl.u32 @!p1 s18, $0x14;
	vm0 =	vlt.f32 @!p1 v1, v4;
	vm1 =	vge.f32 @!p1 v1, v3;
	v1 =	vimm.s32 @!p1 $0x0  }
0xc8: {  	p2 =	por p2, p1;
	s19 =	smul.u32 @!p1 $0x18, s18;
	s18 =	simm.s32 $0x1;
	v3 =	vsel @!p1 vm1, $0x1, v1;
	v1 =	vsel @!p1 vm0, $0xFFFFFFFF, v1  }
0xc9: {  	s26 =	simm.s32 @!p2 $0x2;
	s20 =	simm.s32 $0x2600;
	s22 =	smul.u32 $0xAAAB, s18;
	v1 =	vadd.s32 @!p1 v1, v3  }
0xca: {  	s21 =	simm.s32 $0x2;
	s23 =	simm.s32 $0xD0;
	s19 =	ssub.s32 @!p1 $0xC, s19;
	v1 =	vadd.s32 @!p1 v2, v1  }
0xcb: {  	s19 =	sand.u32 @!p1 $0xFFFF, s19;
	s25 =	sshrl.u32 s22, $0x14;
	s22 =	sadd.s32 $0x100, s7;
	[tilespmem:s20+$0x0] =	vst @!p1 v1  }
0xcc: {  	s19 =	sshll.u32 @!p1 s19, $0xB;
	s25 =	smul.u32 $0x18, s25;
	_ =	swait.ge @!p2 [sflag:s26], $0x800  }
0xcd: {  	s24 =	sadd.s32 @!p1 $0x12080, s19;
	s19 =	simm.s32 $0x2680;
	[sflag:s26] =	ssyncset.done @!p2 $0x0  }
0xce: {  	s25 =	ssub.s32 $0x1, s25;
	[sflag:s26] =	ssyncadd.s32 @!p2 $0xFFFFF800;
	s26 =	simm.s32 @!p1 $0x10  }
.LBB2_2:
0xcf: {  	[tilespmem:s24], [sflag:$0x1] =	stream.indirect.gather @!p1 [spmem:s2], $0x80, s20, s26, $0xb8;
	[tilespmem:$0x1E3A0] =	vst v63  }
0xd0: {  	s24 =	smov.u32 s21;
	s20 =	smov.u32 s19  }
0xd1: {  	s21 =	sadd.s32 $0x1, s21;
	s25 =	sand.u32 $0xFFFF, s25;
	_ =	swait.ge [sflag:s15], $0x800  }
0xd2: {  	s26 =	sadd.s32 $0xC, s18;
	s25 =	sshll.u32 s25, $0xB;
	[sflag:s15] =	ssyncset.done $0x0  }
0xd3: {  	p1 =	sgt.u32 s18, $0x1F3;
	s25 =	sadd.s32 $0x12080, s25;
	[sflag:s15] =	ssyncadd.s32 $0xFFFFF800  }
0xd4: {  	[hbm4b:s22+s3] =	stream.linear.scatter [tilespmem:s25], [sflag:$0x2], $0x800, $0x38;
	[tilespmem:$0x1E3A0] =	vst v63  }
0xd5: {  	p2 =	sne.s32 s21, $0x200;
	p3 =	slt.u32 @!p1 s18, $0xC;
	s25 =	smul.u32 @!p1 $0xAAAB, s26;
	v1 =	vld @!p1 [tilespmem:s23+$0x0]  }
0xd6: {  	s18 =	smov.u32 s24  }
0xd7: {  	s24 =	sshrl.u32 @!p1 s25, $0x14  }
0xd8: {  	s24 =	smul.u32 @!p1 $0x18, s24;
	_ =	sdelay $0x1  }
0xd9: {  	s24 =	ssub.s32 @!p1 s26, s24;
	v2 =	vmul.f32 @!p1 $1.960000000e+02, v1  }
0xda: {  	s24 =	sand.u32 @!p1 $0xFFFF, s24  }
0xdb: {  	s24 =	sshll.u32 @!p1 s24, $0xB;
	v2 =	vtrunc.f32 @!p1 v2  }
0xdc: {  	s24 =	sadd.s32 @!p1 $0x12080, s24;
	v2 =	vcvt.f32.s32 @!p1 v2;
	_ =	sdelay $0x1  }
0xdd: {  	v2 =	vadd.s32 @!p1 $0x1, v2  }
0xde: {  	vm0 =	vgt.s32 @!p1 v2, $0x0  }
0xdf: {  	v2 =	vnsel @!p1 vm0, $0x0, v2  }
0xe0: {  	v2 =	vmin.u32 @!p1 v2, $0x63  }
0xe1: {  	v3 =	vadd.s32 @!p1 $0x1, v2;
	_ =	sdelay $0x2  }
0xe2: {  	s25 =	simm.s32 @!p1 $0x12000  }
0xe3: {  	v4 =	vld.idx.msk @!p1 [tilespmem:v2+s25+$0x0], $0xffff  }
0xe4: {  	v3 =	vld.idx.msk @!p1 [tilespmem:v3+s25+$0x0], $0xffff;
	_ =	sdelay $0x4  }
0xe5: {  	vm0 =	vlt.f32 @!p1 v1, v4  }
0xe6: {  	vm1 =	vge.f32 @!p1 v1, v3;
	v1 =	vimm.s32 @!p1 $0x0  }
0xe7: {  	v3 =	vsel @!p1 vm1, $0x1, v1;
	v1 =	vsel @!p1 vm0, $0xFFFFFFFF, v1  }
0xe8: {  	s25 =	smul.u32 $0xAAAB, s18;
	v1 =	vadd.s32 @!p1 v1, v3  }
.Ltmp0:
0xe9: {  	p3 =	por p3, p1;
	v1 =	vadd.s32 @!p1 v2, v1;
	(pc) =	sbr.rel @p2 .LBB2_2-.Ltmp0, $4  }
0xea: {  	s26 =	simm.s32 @!p3 $0x2;
	s25 =	sshrl.u32 s25, $0x14;
	[tilespmem:s19+$0x0] =	vst @!p1 v1  }
0xeb: {  	s22 =	sadd.s32 $0x100, s22;
	s25 =	smul.u32 $0x18, s25;
	_ =	swait.ge @!p3 [sflag:s26], $0x800  }
0xec: {  	s23 =	sadd.s32 $0x10, s23;
	s19 =	sadd.s32 $0x80, s19;
	[sflag:s26] =	ssyncset.done @!p3 $0x0  }
0xed: {  	s25 =	ssub.s32 s18, s25;
	[sflag:s26] =	ssyncadd.s32 @!p3 $0xFFFFF800;
	s26 =	simm.s32 @!p1 $0x10  }
0xee: {  	[tilespmem:s24], [sflag:$0x1] =	stream.indirect.gather @!p1 [spmem:s2], $0x80, s20, s26, $0xb8;
	[tilespmem:$0x1E3A0] =	vst v63  }
0xef: {  	s26 =	sand.u32 $0xFFFF, s25;
	_ =	swait.ge [sflag:s15], $0x800  }
0xf0: {  	s20 =	sshll.u32 s26, $0xB;
	[sflag:s15] =	ssyncset.done $0x0  }
0xf1: {  	p1 =	sgt.u32 s18, $0x1F3;
	s20 =	sadd.s32 $0x12080, s20;
	[sflag:s15] =	ssyncadd.s32 $0xFFFFF800  }
0xf2: {  	[hbm4b:s22+s3] =	stream.linear.scatter [tilespmem:s20], [sflag:$0x2], $0x800, $0x38;
	[tilespmem:$0x1E3A0] =	vst v63  }
0xf3: {  	v1 =	vld @!p1 [tilespmem:s23+$0x0];
	_ =	sdelay $0x4  }
0xf4: {  	v2 =	vmul.f32 @!p1 $1.960000000e+02, v1;
	_ =	sdelay $0x1  }
0xf5: {  	v2 =	vtrunc.f32 @!p1 v2  }
0xf6: {  	v2 =	vcvt.f32.s32 @!p1 v2;
	_ =	sdelay $0x1  }
0xf7: {  	v2 =	vadd.s32 @!p1 $0x1, v2  }
0xf8: {  	vm0 =	vgt.s32 @!p1 v2, $0x0  }
0xf9: {  	v2 =	vnsel @!p1 vm0, $0x0, v2  }
0xfa: {  	v2 =	vmin.u32 @!p1 v2, $0x63  }
0xfb: {  	v3 =	vadd.s32 @!p1 $0x1, v2;
	_ =	sdelay $0x2  }
0xfc: {  	s20 =	simm.s32 @!p1 $0x12000  }
0xfd: {  	v4 =	vld.idx.msk @!p1 [tilespmem:v2+s20+$0x0], $0xffff  }
0xfe: {  	v3 =	vld.idx.msk @!p1 [tilespmem:v3+s20+$0x0], $0xffff;
	_ =	sdelay $0x2  }
0xff: {  	s20 =	sadd.s32 $0xC, s18  }
0x100: {  	s21 =	smul.u32 @!p1 $0xAAAB, s20  }
0x101: {  	vm0 =	vlt.f32 @!p1 v1, v4;
	vm1 =	vge.f32 @!p1 v1, v3;
	v1 =	vimm.s32 @!p1 $0x0  }
0x102: {  	s21 =	sshrl.u32 @!p1 s21, $0x14;
	v3 =	vsel @!p1 vm1, $0x1, v1;
	v1 =	vsel @!p1 vm0, $0xFFFFFFFF, v1  }
0x103: {  	p2 =	slt.u32 @!p1 s18, $0xC;
	s18 =	smul.u32 @!p1 $0x18, s21;
	v1 =	vadd.s32 @!p1 v1, v3  }
0x104: {  	p2 =	por p2, p1;
	v1 =	vadd.s32 @!p1 v2, v1  }
0x105: {  	s18 =	ssub.s32 @!p1 s20, s18;
	s20 =	simm.s32 @!p2 $0x2;
	[tilespmem:s19+$0x0] =	vst @!p1 v1  }
0x106: {  	s18 =	sand.u32 @!p1 $0xFFFF, s18;
	_ =	swait.ge @!p2 [sflag:s20], $0x800  }
0x107: {  	s18 =	sshll.u32 @!p1 s18, $0xB;
	[sflag:s20] =	ssyncset.done @!p2 $0x0  }
0x108: {  	s18 =	sadd.s32 @!p1 $0x12080, s18;
	[sflag:s20] =	ssyncadd.s32 @!p2 $0xFFFFF800;
	s20 =	simm.s32 @!p1 $0x10  }
0x109: {  	[tilespmem:s18], [sflag:$0x1] =	stream.indirect.gather @!p1 [spmem:s2], $0x80, s19, s20, $0xb8;
	[tilespmem:$0x1E3A0] =	vst v63  }
0x10a: {  	_ =	swait.ge [sflag:s16], $0x800  }
0x10b: {  	[sflag:s16] =	ssyncset.done $0x0  }
0x10c: {  	[sflag:s16] =	ssyncadd.s32 $0xFFFFF800  }
0x10d: {  	_ =	swait.ge [sflag:s16], $0x800  }
0x10e: {  	[sflag:s16] =	ssyncset.done $0x0  }
0x10f: {  	[sflag:s16] =	ssyncadd.s32 $0xFFFFF800  }
0x110: {  	_ =	swait.ge [sflag:s16], $0x800  }
0x111: {  	[sflag:s16] =	ssyncset.done $0x0  }
0x112: {  	[sflag:s16] =	ssyncadd.s32 $0xFFFFF800  }
0x113: {  	_ =	swait.ge [sflag:s16], $0x800  }
0x114: {  	[sflag:s16] =	ssyncset.done $0x0  }
0x115: {  	[sflag:s16] =	ssyncadd.s32 $0xFFFFF800  }
0x116: {  	_ =	swait.ge [sflag:s16], $0x800  }
0x117: {  	[sflag:s16] =	ssyncset.done $0x0  }
0x118: {  	[sflag:s16] =	ssyncadd.s32 $0xFFFFF800  }
0x119: {  	_ =	swait.ge [sflag:s16], $0x800  }
0x11a: {  	[sflag:s16] =	ssyncset.done $0x0  }
0x11b: {  	[sflag:s16] =	ssyncadd.s32 $0xFFFFF800  }
0x11c: {  	_ =	swait.ge [sflag:s16], $0x800  }
0x11d: {  	[sflag:s16] =	ssyncset.done $0x0  }
0x11e: {  	[sflag:s16] =	ssyncadd.s32 $0xFFFFF800  }
0x11f: {  	_ =	swait.ge [sflag:s16], $0x800  }
0x120: {  	[sflag:s16] =	ssyncset.done $0x0  }
0x121: {  	[sflag:s16] =	ssyncadd.s32 $0xFFFFF800  }
0x122: {  	_ =	swait.ge [sflag:s16], $0x800  }
0x123: {  	[sflag:s16] =	ssyncset.done $0x0  }
0x124: {  	[sflag:s16] =	ssyncadd.s32 $0xFFFFF800  }
0x125: {  	_ =	swait.ge [sflag:s16], $0x800  }
0x126: {  	[sflag:s16] =	ssyncset.done $0x0  }
0x127: {  	[sflag:s16] =	ssyncadd.s32 $0xFFFFF800  }
0x128: {  	_ =	swait.ge [sflag:s16], $0x800  }
0x129: {  	[sflag:s16] =	ssyncset.done $0x0  }
0x12a: {  	[sflag:s16] =	ssyncadd.s32 $0xFFFFF800  }
0x12b: {  	_ =	swait.ge [sflag:s16], $0x800  }
0x12c: {  	[sflag:s16] =	ssyncset.done $0x0  }
0x12d: {  	[sflag:s16] =	ssyncadd.s32 $0xFFFFF800  }
0x12e: {  	_ =	swait.ge [sflag:s16], $0x800  }
0x12f: {  	[sflag:s16] =	ssyncset.done $0x0  }
0x130: {  	[sflag:s16] =	ssyncadd.s32 $0xFFFFF800  }
0x131: {  	_ =	swait.ge [sflag:s16], $0x800  }
0x132: {  	[sflag:s16] =	ssyncset.done $0x0  }
0x133: {  	[sflag:s16] =	ssyncadd.s32 $0xFFFFF800  }
0x134: {  	_ =	swait.ge [sflag:s16], $0x800  }
0x135: {  	[sflag:s16] =	ssyncset.done $0x0  }
0x136: {  	[sflag:s16] =	ssyncadd.s32 $0xFFFFF800  }
0x137: {  	_ =	swait.ge [sflag:s16], $0x800  }
0x138: {  	[sflag:s16] =	ssyncset.done $0x0  }
0x139: {  	[sflag:s16] =	ssyncadd.s32 $0xFFFFF800  }
0x13a: {  	_ =	swait.ge [sflag:s16], $0x800  }
0x13b: {  	[sflag:s16] =	ssyncset.done $0x0  }
0x13c: {  	[sflag:s16] =	ssyncadd.s32 $0xFFFFF800  }
0x13d: {  	_ =	swait.ge [sflag:s16], $0x800  }
0x13e: {  	[sflag:s16] =	ssyncset.done $0x0  }
0x13f: {  	[sflag:s16] =	ssyncadd.s32 $0xFFFFF800  }
0x140: {  	_ =	swait.ge [sflag:s16], $0x800  }
0x141: {  	[sflag:s16] =	ssyncset.done $0x0  }
0x142: {  	[sflag:s16] =	ssyncadd.s32 $0xFFFFF800  }
0x143: {  	_ =	swait.ge [sflag:s16], $0x800  }
0x144: {  	[sflag:s16] =	ssyncset.done $0x0  }
0x145: {  	[sflag:s16] =	ssyncadd.s32 $0xFFFFF800  }
0x146: {  	_ =	swait.ge [sflag:s16], $0x800  }
0x147: {  	[sflag:s16] =	ssyncset.done $0x0  }
0x148: {  	[sflag:s16] =	ssyncadd.s32 $0xFFFFF800  }
0x149: {  	_ =	swait.ge [sflag:s16], $0x800  }
0x14a: {  	[sflag:s16] =	ssyncset.done $0x0  }
0x14b: {  	s17 =	sadd.s32 $0x1, s17;
	[sflag:s16] =	ssyncadd.s32 $0xFFFFF800  }
0x14c: {  	p1 =	sne.s32 s17, s6;
	_ =	swait.ge [sflag:s16], $0x800  }
.Ltmp1:
0x14d: {  	[sflag:s16] =	ssyncset.done $0x0;
	(pc) =	sbr.rel @p1 .LBB2_1-.Ltmp1, $4  }
0x14e: {  	[sflag:s16] =	ssyncadd.s32 $0xFFFFF800  }
0x14f: {  	_ =	swait.ge [sflag:s16], $0x800  }
0x150: {  	[sflag:s16] =	ssyncset.done $0x0  }
0x151: {  	[sflag:s16] =	ssyncadd.s32 $0xFFFFF800  }
0x152: {  	_ =	sfence.sel $0x180000  }
0x153: {  	[bflag:$0x0] =	sbarrier.arrive $0xFFFF  }
0x154: {  	_ =	strace $0x90000047  }
0x155: {  	[bflag:$0x2] =	sbarrier.arrive $0xFFFF  }
0x156: {  	s0 =	rddreg [dreg:$0x4]  }
0x157: {  	s0 =	sadd.s32 @!p0 $0x100000, s0  }
0x158: {  	[sflag:s0] =	ssyncadd.tile.s32 @!p0 $0x1;
	_ =	shalt  }
.Lfunc_end2:
_tile_overlayer_lowered:
.L_overlay_start_2:
0x159: {  	(tag) =	ssettag $0x2  }
0x15a: {  	s0 =	rddreg [dreg:$0x0];
	s2 =	stileid.u32  }
0x15b: {  	s1 =	rddreg [dreg:$0x1];
	p0 =	sne.s32 s2, $0x0  }
0x15c: {  	s3 =	rddreg [dreg:$0x2];
	[bflag:$0x3] =	sbarrier.arrive $0xFFFF;
	s2 =	simm.s32 @!p0 $0x1C03  }
0x15d: {  	[timem:s3], [sflag:s2] =	dma.local @!p0 [hbm:s0], s1  }
0x15e: {  	s0 =	simm.s32 @!p0 $0x3  }
0x15f: {  	_ =	swait.ge @!p0 [sflag:s0], s1  }
0x160: {  	s1 =	ssub.s32 @!p0 $0x0, s1;
	[sflag:s0] =	ssyncset.done @!p0 $0x0  }
0x161: {  	[sflag:s0] =	ssyncadd.s32 @!p0 s1  }
0x162: {  	[bflag:$0x3] =	sbarrier.arrive $0xFFFF  }
0x163: {  	_ =	shalt  }

</sc_bundles>
